<compile_context>
chip_gen: v7x
topology: tpu7x:2x2x1
jax: 0.10.2.dev20260603
libtpu: 0.0.44.dev20260713+nightly
codegen_flags: <defaults>
</compile_context>

<pallas_src>
import jax
import jax.numpy as jnp
from jax import lax
from jax.experimental import pallas as pl
from jax.experimental.pallas import tpu as pltpu
from jax.experimental.pallas import tpu_sc as plsc

B, S, D = 4, 4096, 1024
L = 2048
NC, NS = 2, 16
NW = NC * NS
RPW = (B * L) // NW
WPB = L // RPW
GS = 16
G = RPW // GS
NBUF = 7


def _body(x_hbm, idx_hbm, out_hbm, idx_v, *rest):
    bufs = rest[:NBUF]
    gsems = rest[NBUF:2 * NBUF]
    wsems = rest[2 * NBUF:3 * NBUF]
    wid = lax.axis_index("s") * NC + lax.axis_index("c")
    b = wid // WPB
    off = b * S
    base = wid * RPW

    pltpu.sync_copy(idx_hbm.at[b, pl.ds((wid % WPB) * RPW, RPW)], idx_v)

    gd = [None] * NBUF
    wd = [None] * NBUF

    def issue_gather(g):
        nb = g % NBUF
        if wd[nb] is not None:
            wd[nb].wait()
        v = idx_v[pl.ds(g * GS, 16)]
        vm = jnp.maximum(v, 0) + off
        gd[nb] = pltpu.async_copy(x_hbm.at[vm], bufs[nb], gsems[nb])

    for g in range(NBUF - 1):
        issue_gather(g)
    for g in range(G):
        cb = g % NBUF
        if g + NBUF - 1 < G:
            issue_gather(g + NBUF - 1)
        gd[cb].wait()
        wd[cb] = pltpu.async_copy(
            bufs[cb], out_hbm.at[pl.ds(base + g * GS, GS)], wsems[cb])
    for g in range(G - NBUF, G):
        wd[g % NBUF].wait()


def kernel(x, indices):
    xf = x.reshape(B * S, D)
    idx = indices.astype(jnp.int32)
    mesh = plsc.VectorSubcoreMesh(core_axis_name="c", subcore_axis_name="s")
    out = pl.kernel(
        _body,
        mesh=mesh,
        out_type=jax.ShapeDtypeStruct((B * L, D), jnp.float32),
        scratch_types=(
            [pltpu.VMEM((RPW,), jnp.int32)]
            + [pltpu.VMEM((GS, D), jnp.float32)] * NBUF
            + [pltpu.SemaphoreType.DMA] * (2 * NBUF)
        ),
    )(xf, idx)
    return out.reshape(B, L, D)

# --- scband reference (transcript-rebuilt; emitter-appended) ---
"""Pipeline reference for scband-word-extraction-79448305042053 (READ-ONLY COPY).

The authoritative reference and input builder live on the scoring server;
editing this copy changes nothing except your own understanding.
"""

import jax, jax.numpy as jnp
import numpy as np

def setup_inputs(seed: int = 0) -> dict:
    key = jax.random.key(seed)
    k1, k2 = jax.random.split(key)
    x = jax.random.normal(k1, (4, 4096, 1024), dtype=jnp.float32)
    indices = jax.random.randint(k2, (4, 2048), 0, 4096, dtype=jnp.int64)
    return {"x": x, "indices": indices}

def reference(x, indices):
    # m = indices * (indices >= 0), cast to int32 (clamp negatives to 0)
    m = (indices * jnp.greater_equal(indices, 0).astype(indices.dtype)).astype(jnp.int32)
    # per-batch gather: out[b, l, :] = x[b, m[b, l], :]
    out = jnp.take_along_axis(x, m[:, :, None], axis=1)
    return out

if __name__ == "__main__":
    import jax
    _d = setup_inputs()
    print(jax.jit(kernel)(*tuple(_d.values())))

</pallas_src>

<mosaic_0001>
#map = affine_map<(d0, d1) -> (0, 0)>
module attributes {stable_mosaic.version = 14 : i64} {
  func.func @_body(%arg0: i32, %arg1: i32, %arg2: memref<16384x1024xf32, #tpu.memory_space<hbm>>, %arg3: memref<4x2048xi32, #tpu.memory_space<hbm>>, %arg4: memref<8192x1024xf32, #tpu.memory_space<hbm>>, %arg5: memref<256xi32, #tpu.memory_space<vmem>>, %arg6: memref<16x1024xf32, #tpu.memory_space<vmem>>, %arg7: memref<16x1024xf32, #tpu.memory_space<vmem>>, %arg8: memref<16x1024xf32, #tpu.memory_space<vmem>>, %arg9: memref<16x1024xf32, #tpu.memory_space<vmem>>, %arg10: memref<16x1024xf32, #tpu.memory_space<vmem>>, %arg11: memref<16x1024xf32, #tpu.memory_space<vmem>>, %arg12: memref<16x1024xf32, #tpu.memory_space<vmem>>, %arg13: memref<!tpu.dma_semaphore, #tpu.memory_space<semaphore_mem>>, %arg14: memref<!tpu.dma_semaphore, #tpu.memory_space<semaphore_mem>>, %arg15: memref<!tpu.dma_semaphore, #tpu.memory_space<semaphore_mem>>, %arg16: memref<!tpu.dma_semaphore, #tpu.memory_space<semaphore_mem>>, %arg17: memref<!tpu.dma_semaphore, #tpu.memory_space<semaphore_mem>>, %arg18: memref<!tpu.dma_semaphore, #tpu.memory_space<semaphore_mem>>, %arg19: memref<!tpu.dma_semaphore, #tpu.memory_space<semaphore_mem>>, %arg20: memref<!tpu.dma_semaphore, #tpu.memory_space<semaphore_mem>>, %arg21: memref<!tpu.dma_semaphore, #tpu.memory_space<semaphore_mem>>, %arg22: memref<!tpu.dma_semaphore, #tpu.memory_space<semaphore_mem>>, %arg23: memref<!tpu.dma_semaphore, #tpu.memory_space<semaphore_mem>>, %arg24: memref<!tpu.dma_semaphore, #tpu.memory_space<semaphore_mem>>, %arg25: memref<!tpu.dma_semaphore, #tpu.memory_space<semaphore_mem>>, %arg26: memref<!tpu.dma_semaphore, #tpu.memory_space<semaphore_mem>>) attributes {dimension_semantics = [#tpu.dimension_semantics<core_parallel>, #tpu.dimension_semantics<subcore_parallel>], iteration_bounds = array<i64: 2, 16>, scalar_prefetch = 0 : i64, scratch_operands = 22 : i64, tpu.core_type = #tpu.core_type<sc_vector_subcore>, window_params = [{transform_indices = #map}, {transform_indices = #map}, {transform_indices = #map}]} {
    %mul3A = arith.constant 2 : i32
    %mul3A_0 = arith.muli %arg1, %mul3A : i32
    %add3A = arith.addi %mul3A_0, %arg0 : i32
    %jit3A = arith.constant 8 : i32
    %div3A = arith.divsi %add3A, %jit3A : i32
    %sign3A = arith.constant 0 : i32
    %sign3A_1 = arith.cmpi sgt, %add3A, %sign3A : i32
    %sign3A_2 = arith.extui %sign3A_1 : i1 to i32
    %sign3A_3 = arith.constant 0 : i32
    %sign3A_4 = arith.cmpi slt, %add3A, %sign3A_3 : i32
    %sign3A_5 = arith.extui %sign3A_4 : i1 to i32
    %sign3A_6 = arith.subi %sign3A_2, %sign3A_5 : i32
    %sign3A_7 = arith.constant 0 : i32
    %sign3A_8 = arith.cmpi sgt, %jit3A, %sign3A_7 : i32
    %sign3A_9 = arith.extui %sign3A_8 : i1 to i32
    %sign3A_10 = arith.constant 0 : i32
    %sign3A_11 = arith.cmpi slt, %jit3A, %sign3A_10 : i32
    %sign3A_12 = arith.extui %sign3A_11 : i1 to i32
    %sign3A_13 = arith.subi %sign3A_9, %sign3A_12 : i32
    %ne3A = arith.cmpi ne, %sign3A_6, %sign3A_13 : i32
    %rem3A = arith.remsi %add3A, %jit3A : i32
    %ne3A_14 = arith.constant 0 : i32
    %ne3A_15 = arith.cmpi ne, %rem3A, %ne3A_14 : i32
    %and3A = arith.andi %ne3A, %ne3A_15 : i1
    %sub3A = arith.constant 1 : i32
    %sub3A_16 = arith.subi %div3A, %sub3A : i32
    %select_n3A = arith.select %and3A, %sub3A_16, %div3A : i32
    %mul3A_17 = arith.constant 4096 : i32
    %mul3A_18 = arith.muli %select_n3A, %mul3A_17 : i32
    %mul3A_19 = arith.constant 256 : i32
    %mul3A_20 = arith.muli %add3A, %mul3A_19 : i32
    %jit3A_21 = arith.constant 8 : i32
    %eq3A = arith.constant 0 : i32
    %eq3A_22 = arith.cmpi eq, %jit3A_21, %eq3A : i32
    %jit3A_23 = arith.constant 1 : i32
    %select_n3A_24 = arith.select %eq3A_22, %jit3A_23, %jit3A_21 : i32
    %rem3A_25 = arith.remsi %add3A, %select_n3A_24 : i32
    %ne3A_26 = arith.constant 0 : i32
    %ne3A_27 = arith.cmpi ne, %rem3A_25, %ne3A_26 : i32
    %lt3A = arith.constant 0 : i32
    %lt3A_28 = arith.cmpi slt, %rem3A_25, %lt3A : i32
    %lt3A_29 = arith.constant 0 : i32
    %lt3A_30 = arith.cmpi slt, %select_n3A_24, %lt3A_29 : i32
    %ne3A_31 = arith.xori %lt3A_28, %lt3A_30 : i1
    %and3A_32 = arith.andi %ne3A_31, %ne3A_27 : i1
    %add3A_33 = arith.addi %rem3A_25, %select_n3A_24 : i32
    %select_n3A_34 = arith.select %and3A_32, %add3A_33, %rem3A_25 : i32
    %mul3A_35 = arith.constant 256 : i32
    %mul3A_36 = arith.muli %select_n3A_34, %mul3A_35 : i32
    "tpu.region"() ({
      %run_scoped3A = tpu.sem_alloc : memref<!tpu.dma_semaphore, #tpu.memory_space<semaphore_mem>>
      %dma_start3A_417 = tpu.memref_slice %arg3[%select_n3A, %mul3A_36] : memref<4x2048xi32, #tpu.memory_space<hbm>> -> memref<1x256xi32, #tpu.memory_space<hbm>>
      %dma_start3A_418 = tpu.memref_squeeze %dma_start3A_417 : memref<1x256xi32, #tpu.memory_space<hbm>> -> memref<256xi32, #tpu.memory_space<hbm>>
      %dma_start3A_419 = tpu.memref_slice %arg3[%select_n3A, %mul3A_36] : memref<4x2048xi32, #tpu.memory_space<hbm>> -> memref<1x256xi32, #tpu.memory_space<hbm>>
      %dma_start3A_420 = tpu.memref_squeeze %dma_start3A_419 : memref<1x256xi32, #tpu.memory_space<hbm>> -> memref<256xi32, #tpu.memory_space<hbm>>
      tpu.enqueue_dma source(%dma_start3A_420 : memref<256xi32, #tpu.memory_space<hbm>>) target(%arg5 : memref<256xi32, #tpu.memory_space<vmem>>) target_semaphore(%run_scoped3A : memref<!tpu.dma_semaphore, #tpu.memory_space<semaphore_mem>>)
      %dma_wait3A_421 = tpu.memref_slice %arg3[%select_n3A, %mul3A_36] : memref<4x2048xi32, #tpu.memory_space<hbm>> -> memref<1x256xi32, #tpu.memory_space<hbm>>
      %dma_wait3A_422 = tpu.memref_squeeze %dma_wait3A_421 : memref<1x256xi32, #tpu.memory_space<hbm>> -> memref<256xi32, #tpu.memory_space<hbm>>
      %dma_wait3A_423 = tpu.memref_slice %arg3[%select_n3A, %mul3A_36] : memref<4x2048xi32, #tpu.memory_space<hbm>> -> memref<1x256xi32, #tpu.memory_space<hbm>>
      %dma_wait3A_424 = tpu.memref_squeeze %dma_wait3A_423 : memref<1x256xi32, #tpu.memory_space<hbm>> -> memref<256xi32, #tpu.memory_space<hbm>>
      tpu.wait_dma2 semaphore(%run_scoped3A : memref<!tpu.dma_semaphore, #tpu.memory_space<semaphore_mem>>) src(%dma_wait3A_424 : memref<256xi32, #tpu.memory_space<hbm>>) dst(%arg5 : memref<256xi32, #tpu.memory_space<vmem>>)
      tpu.yield
    }) : () -> ()
    %get3A = arith.constant 0 : index
    %get3A_37 = tpu.vector_load %arg5[%get3A] {strides = array<i32>} : memref<256xi32, #tpu.memory_space<vmem>>, vector<16xi32>,
    %get3A_38 = vector.shape_cast %get3A_37 : vector<16xi32> to vector<16xi32>
    %max3A = arith.constant 0 : i32
    %max3A_39 = vector.broadcast %max3A : i32 to vector<16xi32>
    %max3A_40 = arith.maxsi %get3A_38, %max3A_39 : vector<16xi32>
    %add3A_41 = vector.broadcast %mul3A_18 : i32 to vector<16xi32>
    %add3A_42 = arith.addi %max3A_40, %add3A_41 : vector<16xi32>
    %dma_start3A = arith.constant 0 : i32
    %dma_start3A_43 = arith.constant 0 : i32
    %dma_start3A_44 = tpu.memref_slice %arg2[%dma_start3A, %dma_start3A_43] : memref<16384x1024xf32, #tpu.memory_space<hbm>> -> memref<16384x1024xf32, #tpu.memory_space<hbm>>
    tpu.enqueue_indirect_dma source(%dma_start3A_44 : memref<16384x1024xf32, #tpu.memory_space<hbm>>) target(%arg6 : memref<16x1024xf32, #tpu.memory_space<vmem>>) offsets(%add3A_42 : vector<16xi32>) semaphore(%arg13 : memref<!tpu.dma_semaphore, #tpu.memory_space<semaphore_mem>>)
    %get3A_45 = arith.constant 16 : index
    %get3A_46 = tpu.vector_load %arg5[%get3A_45] {strides = array<i32>} : memref<256xi32, #tpu.memory_space<vmem>>, vector<16xi32>,
    %get3A_47 = vector.shape_cast %get3A_46 : vector<16xi32> to vector<16xi32>
    %max3A_48 = arith.constant 0 : i32
    %max3A_49 = vector.broadcast %max3A_48 : i32 to vector<16xi32>
    %max3A_50 = arith.maxsi %get3A_47, %max3A_49 : vector<16xi32>
    %add3A_51 = vector.broadcast %mul3A_18 : i32 to vector<16xi32>
    %add3A_52 = arith.addi %max3A_50, %add3A_51 : vector<16xi32>
    %dma_start3A_53 = arith.constant 0 : i32
    %dma_start3A_54 = arith.constant 0 : i32
    %dma_start3A_55 = tpu.memref_slice %arg2[%dma_start3A_53, %dma_start3A_54] : memref<16384x1024xf32, #tpu.memory_space<hbm>> -> memref<16384x1024xf32, #tpu.memory_space<hbm>>
    tpu.enqueue_indirect_dma source(%dma_start3A_55 : memref<16384x1024xf32, #tpu.memory_space<hbm>>) target(%arg7 : memref<16x1024xf32, #tpu.memory_space<vmem>>) offsets(%add3A_52 : vector<16xi32>) semaphore(%arg14 : memref<!tpu.dma_semaphore, #tpu.memory_space<semaphore_mem>>)
    %get3A_56 = arith.constant 32 : index
    %get3A_57 = tpu.vector_load %arg5[%get3A_56] {strides = array<i32>} : memref<256xi32, #tpu.memory_space<vmem>>, vector<16xi32>,
    %get3A_58 = vector.shape_cast %get3A_57 : vector<16xi32> to vector<16xi32>
    %max3A_59 = arith.constant 0 : i32
    %max3A_60 = vector.broadcast %max3A_59 : i32 to vector<16xi32>
    %max3A_61 = arith.maxsi %get3A_58, %max3A_60 : vector<16xi32>
    %add3A_62 = vector.broadcast %mul3A_18 : i32 to vector<16xi32>
    %add3A_63 = arith.addi %max3A_61, %add3A_62 : vector<16xi32>
    %dma_start3A_64 = arith.constant 0 : i32
    %dma_start3A_65 = arith.constant 0 : i32
    %dma_start3A_66 = tpu.memref_slice %arg2[%dma_start3A_64, %dma_start3A_65] : memref<16384x1024xf32, #tpu.memory_space<hbm>> -> memref<16384x1024xf32, #tpu.memory_space<hbm>>
    tpu.enqueue_indirect_dma source(%dma_start3A_66 : memref<16384x1024xf32, #tpu.memory_space<hbm>>) target(%arg8 : memref<16x1024xf32, #tpu.memory_space<vmem>>) offsets(%add3A_63 : vector<16xi32>) semaphore(%arg15 : memref<!tpu.dma_semaphore, #tpu.memory_space<semaphore_mem>>)
    %get3A_67 = arith.constant 48 : index
    %get3A_68 = tpu.vector_load %arg5[%get3A_67] {strides = array<i32>} : memref<256xi32, #tpu.memory_space<vmem>>, vector<16xi32>,
    %get3A_69 = vector.shape_cast %get3A_68 : vector<16xi32> to vector<16xi32>
    %max3A_70 = arith.constant 0 : i32
    %max3A_71 = vector.broadcast %max3A_70 : i32 to vector<16xi32>
    %max3A_72 = arith.maxsi %get3A_69, %max3A_71 : vector<16xi32>
    %add3A_73 = vector.broadcast %mul3A_18 : i32 to vector<16xi32>
    %add3A_74 = arith.addi %max3A_72, %add3A_73 : vector<16xi32>
    %dma_start3A_75 = arith.constant 0 : i32
    %dma_start3A_76 = arith.constant 0 : i32
    %dma_start3A_77 = tpu.memref_slice %arg2[%dma_start3A_75, %dma_start3A_76] : memref<16384x1024xf32, #tpu.memory_space<hbm>> -> memref<16384x1024xf32, #tpu.memory_space<hbm>>
    tpu.enqueue_indirect_dma source(%dma_start3A_77 : memref<16384x1024xf32, #tpu.memory_space<hbm>>) target(%arg9 : memref<16x1024xf32, #tpu.memory_space<vmem>>) offsets(%add3A_74 : vector<16xi32>) semaphore(%arg16 : memref<!tpu.dma_semaphore, #tpu.memory_space<semaphore_mem>>)
    %get3A_78 = arith.constant 64 : index
    %get3A_79 = tpu.vector_load %arg5[%get3A_78] {strides = array<i32>} : memref<256xi32, #tpu.memory_space<vmem>>, vector<16xi32>,
    %get3A_80 = vector.shape_cast %get3A_79 : vector<16xi32> to vector<16xi32>
    %max3A_81 = arith.constant 0 : i32
    %max3A_82 = vector.broadcast %max3A_81 : i32 to vector<16xi32>
    %max3A_83 = arith.maxsi %get3A_80, %max3A_82 : vector<16xi32>
    %add3A_84 = vector.broadcast %mul3A_18 : i32 to vector<16xi32>
    %add3A_85 = arith.addi %max3A_83, %add3A_84 : vector<16xi32>
    %dma_start3A_86 = arith.constant 0 : i32
    %dma_start3A_87 = arith.constant 0 : i32
    %dma_start3A_88 = tpu.memref_slice %arg2[%dma_start3A_86, %dma_start3A_87] : memref<16384x1024xf32, #tpu.memory_space<hbm>> -> memref<16384x1024xf32, #tpu.memory_space<hbm>>
    tpu.enqueue_indirect_dma source(%dma_start3A_88 : memref<16384x1024xf32, #tpu.memory_space<hbm>>) target(%arg10 : memref<16x1024xf32, #tpu.memory_space<vmem>>) offsets(%add3A_85 : vector<16xi32>) semaphore(%arg17 : memref<!tpu.dma_semaphore, #tpu.memory_space<semaphore_mem>>)
    %get3A_89 = arith.constant 80 : index
    %get3A_90 = tpu.vector_load %arg5[%get3A_89] {strides = array<i32>} : memref<256xi32, #tpu.memory_space<vmem>>, vector<16xi32>,
    %get3A_91 = vector.shape_cast %get3A_90 : vector<16xi32> to vector<16xi32>
    %max3A_92 = arith.constant 0 : i32
    %max3A_93 = vector.broadcast %max3A_92 : i32 to vector<16xi32>
    %max3A_94 = arith.maxsi %get3A_91, %max3A_93 : vector<16xi32>
    %add3A_95 = vector.broadcast %mul3A_18 : i32 to vector<16xi32>
    %add3A_96 = arith.addi %max3A_94, %add3A_95 : vector<16xi32>
    %dma_start3A_97 = arith.constant 0 : i32
    %dma_start3A_98 = arith.constant 0 : i32
    %dma_start3A_99 = tpu.memref_slice %arg2[%dma_start3A_97, %dma_start3A_98] : memref<16384x1024xf32, #tpu.memory_space<hbm>> -> memref<16384x1024xf32, #tpu.memory_space<hbm>>
    tpu.enqueue_indirect_dma source(%dma_start3A_99 : memref<16384x1024xf32, #tpu.memory_space<hbm>>) target(%arg11 : memref<16x1024xf32, #tpu.memory_space<vmem>>) offsets(%add3A_96 : vector<16xi32>) semaphore(%arg18 : memref<!tpu.dma_semaphore, #tpu.memory_space<semaphore_mem>>)
    %get3A_100 = arith.constant 96 : index
    %get3A_101 = tpu.vector_load %arg5[%get3A_100] {strides = array<i32>} : memref<256xi32, #tpu.memory_space<vmem>>, vector<16xi32>,
    %get3A_102 = vector.shape_cast %get3A_101 : vector<16xi32> to vector<16xi32>
    %max3A_103 = arith.constant 0 : i32
    %max3A_104 = vector.broadcast %max3A_103 : i32 to vector<16xi32>
    %max3A_105 = arith.maxsi %get3A_102, %max3A_104 : vector<16xi32>
    %add3A_106 = vector.broadcast %mul3A_18 : i32 to vector<16xi32>
    %add3A_107 = arith.addi %max3A_105, %add3A_106 : vector<16xi32>
    %dma_start3A_108 = arith.constant 0 : i32
    %dma_start3A_109 = arith.constant 0 : i32
    %dma_start3A_110 = tpu.memref_slice %arg2[%dma_start3A_108, %dma_start3A_109] : memref<16384x1024xf32, #tpu.memory_space<hbm>> -> memref<16384x1024xf32, #tpu.memory_space<hbm>>
    tpu.enqueue_indirect_dma source(%dma_start3A_110 : memref<16384x1024xf32, #tpu.memory_space<hbm>>) target(%arg12 : memref<16x1024xf32, #tpu.memory_space<vmem>>) offsets(%add3A_107 : vector<16xi32>) semaphore(%arg19 : memref<!tpu.dma_semaphore, #tpu.memory_space<semaphore_mem>>)
    %dma_wait3A = arith.constant 0 : i32
    %dma_wait3A_111 = arith.constant 0 : i32
    %dma_wait3A_112 = tpu.memref_slice %arg2[%dma_wait3A, %dma_wait3A_111] : memref<16384x1024xf32, #tpu.memory_space<hbm>> -> memref<16384x1024xf32, #tpu.memory_space<hbm>>
    tpu.wait_indirect_dma semaphore(%arg13 : memref<!tpu.dma_semaphore, #tpu.memory_space<semaphore_mem>>) src(%dma_wait3A_112 : memref<16384x1024xf32, #tpu.memory_space<hbm>>) dst(%arg6 : memref<16x1024xf32, #tpu.memory_space<vmem>>)
    %add3A_113 = arith.constant 0 : i32
    %add3A_114 = arith.addi %mul3A_20, %add3A_113 : i32
    %dma_start3A_115 = arith.constant 0 : i32
    %dma_start3A_116 = tpu.memref_slice %arg4[%add3A_114, %dma_start3A_115] : memref<8192x1024xf32, #tpu.memory_space<hbm>> -> memref<16x1024xf32, #tpu.memory_space<hbm>>
    %dma_start3A_117 = arith.constant 0 : i32
    %dma_start3A_118 = tpu.memref_slice %arg4[%add3A_114, %dma_start3A_117] : memref<8192x1024xf32, #tpu.memory_space<hbm>> -> memref<16x1024xf32, #tpu.memory_space<hbm>>
    tpu.enqueue_dma source(%arg6 : memref<16x1024xf32, #tpu.memory_space<vmem>>) target(%dma_start3A_118 : memref<16x1024xf32, #tpu.memory_space<hbm>>) target_semaphore(%arg20 : memref<!tpu.dma_semaphore, #tpu.memory_space<semaphore_mem>>)
    %dma_wait3A_119 = arith.constant 0 : i32
    %dma_wait3A_120 = tpu.memref_slice %arg4[%add3A_114, %dma_wait3A_119] : memref<8192x1024xf32, #tpu.memory_space<hbm>> -> memref<16x1024xf32, #tpu.memory_space<hbm>>
    %dma_wait3A_121 = arith.constant 0 : i32
    %dma_wait3A_122 = tpu.memref_slice %arg4[%add3A_114, %dma_wait3A_121] : memref<8192x1024xf32, #tpu.memory_space<hbm>> -> memref<16x1024xf32, #tpu.memory_space<hbm>>
    tpu.wait_dma2 semaphore(%arg20 : memref<!tpu.dma_semaphore, #tpu.memory_space<semaphore_mem>>) src(%arg6 : memref<16x1024xf32, #tpu.memory_space<vmem>>) dst(%dma_wait3A_122 : memref<16x1024xf32, #tpu.memory_space<hbm>>)
    %get3A_123 = arith.constant 112 : index
    %get3A_124 = tpu.vector_load %arg5[%get3A_123] {strides = array<i32>} : memref<256xi32, #tpu.memory_space<vmem>>, vector<16xi32>,
    %get3A_125 = vector.shape_cast %get3A_124 : vector<16xi32> to vector<16xi32>
    %max3A_126 = arith.constant 0 : i32
    %max3A_127 = vector.broadcast %max3A_126 : i32 to vector<16xi32>
    %max3A_128 = arith.maxsi %get3A_125, %max3A_127 : vector<16xi32>
    %add3A_129 = vector.broadcast %mul3A_18 : i32 to vector<16xi32>
    %add3A_130 = arith.addi %max3A_128, %add3A_129 : vector<16xi32>
    %dma_start3A_131 = arith.constant 0 : i32
    %dma_start3A_132 = arith.constant 0 : i32
    %dma_start3A_133 = tpu.memref_slice %arg2[%dma_start3A_131, %dma_start3A_132] : memref<16384x1024xf32, #tpu.memory_space<hbm>> -> memref<16384x1024xf32, #tpu.memory_space<hbm>>
    tpu.enqueue_indirect_dma source(%dma_start3A_133 : memref<16384x1024xf32, #tpu.memory_space<hbm>>) target(%arg6 : memref<16x1024xf32, #tpu.memory_space<vmem>>) offsets(%add3A_130 : vector<16xi32>) semaphore(%arg13 : memref<!tpu.dma_semaphore, #tpu.memory_space<semaphore_mem>>)
    %dma_wait3A_134 = arith.constant 0 : i32
    %dma_wait3A_135 = arith.constant 0 : i32
    %dma_wait3A_136 = tpu.memref_slice %arg2[%dma_wait3A_134, %dma_wait3A_135] : memref<16384x1024xf32, #tpu.memory_space<hbm>> -> memref<16384x1024xf32, #tpu.memory_space<hbm>>
    tpu.wait_indirect_dma semaphore(%arg14 : memref<!tpu.dma_semaphore, #tpu.memory_space<semaphore_mem>>) src(%dma_wait3A_136 : memref<16384x1024xf32, #tpu.memory_space<hbm>>) dst(%arg7 : memref<16x1024xf32, #tpu.memory_space<vmem>>)
    %add3A_137 = arith.constant 16 : i32
    %add3A_138 = arith.addi %mul3A_20, %add3A_137 : i32
    %dma_start3A_139 = arith.constant 0 : i32
    %dma_start3A_140 = tpu.memref_slice %arg4[%add3A_138, %dma_start3A_139] : memref<8192x1024xf32, #tpu.memory_space<hbm>> -> memref<16x1024xf32, #tpu.memory_space<hbm>>
    %dma_start3A_141 = arith.constant 0 : i32
    %dma_start3A_142 = tpu.memref_slice %arg4[%add3A_138, %dma_start3A_141] : memref<8192x1024xf32, #tpu.memory_space<hbm>> -> memref<16x1024xf32, #tpu.memory_space<hbm>>
    tpu.enqueue_dma source(%arg7 : memref<16x1024xf32, #tpu.memory_space<vmem>>) target(%dma_start3A_142 : memref<16x1024xf32, #tpu.memory_space<hbm>>) target_semaphore(%arg21 : memref<!tpu.dma_semaphore, #tpu.memory_space<semaphore_mem>>)
    %dma_wait3A_143 = arith.constant 0 : i32
    %dma_wait3A_144 = tpu.memref_slice %arg4[%add3A_138, %dma_wait3A_143] : memref<8192x1024xf32, #tpu.memory_space<hbm>> -> memref<16x1024xf32, #tpu.memory_space<hbm>>
    %dma_wait3A_145 = arith.constant 0 : i32
    %dma_wait3A_146 = tpu.memref_slice %arg4[%add3A_138, %dma_wait3A_145] : memref<8192x1024xf32, #tpu.memory_space<hbm>> -> memref<16x1024xf32, #tpu.memory_space<hbm>>
    tpu.wait_dma2 semaphore(%arg21 : memref<!tpu.dma_semaphore, #tpu.memory_space<semaphore_mem>>) src(%arg7 : memref<16x1024xf32, #tpu.memory_space<vmem>>) dst(%dma_wait3A_146 : memref<16x1024xf32, #tpu.memory_space<hbm>>)
    %get3A_147 = arith.constant 128 : index
    %get3A_148 = tpu.vector_load %arg5[%get3A_147] {strides = array<i32>} : memref<256xi32, #tpu.memory_space<vmem>>, vector<16xi32>,
    %get3A_149 = vector.shape_cast %get3A_148 : vector<16xi32> to vector<16xi32>
    %max3A_150 = arith.constant 0 : i32
    %max3A_151 = vector.broadcast %max3A_150 : i32 to vector<16xi32>
    %max3A_152 = arith.maxsi %get3A_149, %max3A_151 : vector<16xi32>
    %add3A_153 = vector.broadcast %mul3A_18 : i32 to vector<16xi32>
    %add3A_154 = arith.addi %max3A_152, %add3A_153 : vector<16xi32>
    %dma_start3A_155 = arith.constant 0 : i32
    %dma_start3A_156 = arith.constant 0 : i32
    %dma_start3A_157 = tpu.memref_slice %arg2[%dma_start3A_155, %dma_start3A_156] : memref<16384x1024xf32, #tpu.memory_space<hbm>> -> memref<16384x1024xf32, #tpu.memory_space<hbm>>
    tpu.enqueue_indirect_dma source(%dma_start3A_157 : memref<16384x1024xf32, #tpu.memory_space<hbm>>) target(%arg7 : memref<16x1024xf32, #tpu.memory_space<vmem>>) offsets(%add3A_154 : vector<16xi32>) semaphore(%arg14 : memref<!tpu.dma_semaphore, #tpu.memory_space<semaphore_mem>>)
    %dma_wait3A_158 = arith.constant 0 : i32
    %dma_wait3A_159 = arith.constant 0 : i32
    %dma_wait3A_160 = tpu.memref_slice %arg2[%dma_wait3A_158, %dma_wait3A_159] : memref<16384x1024xf32, #tpu.memory_space<hbm>> -> memref<16384x1024xf32, #tpu.memory_space<hbm>>
    tpu.wait_indirect_dma semaphore(%arg15 : memref<!tpu.dma_semaphore, #tpu.memory_space<semaphore_mem>>) src(%dma_wait3A_160 : memref<16384x1024xf32, #tpu.memory_space<hbm>>) dst(%arg8 : memref<16x1024xf32, #tpu.memory_space<vmem>>)
    %add3A_161 = arith.constant 32 : i32
    %add3A_162 = arith.addi %mul3A_20, %add3A_161 : i32
    %dma_start3A_163 = arith.constant 0 : i32
    %dma_start3A_164 = tpu.memref_slice %arg4[%add3A_162, %dma_start3A_163] : memref<8192x1024xf32, #tpu.memory_space<hbm>> -> memref<16x1024xf32, #tpu.memory_space<hbm>>
    %dma_start3A_165 = arith.constant 0 : i32
    %dma_start3A_166 = tpu.memref_slice %arg4[%add3A_162, %dma_start3A_165] : memref<8192x1024xf32, #tpu.memory_space<hbm>> -> memref<16x1024xf32, #tpu.memory_space<hbm>>
    tpu.enqueue_dma source(%arg8 : memref<16x1024xf32, #tpu.memory_space<vmem>>) target(%dma_start3A_166 : memref<16x1024xf32, #tpu.memory_space<hbm>>) target_semaphore(%arg22 : memref<!tpu.dma_semaphore, #tpu.memory_space<semaphore_mem>>)
    %dma_wait3A_167 = arith.constant 0 : i32
    %dma_wait3A_168 = tpu.memref_slice %arg4[%add3A_162, %dma_wait3A_167] : memref<8192x1024xf32, #tpu.memory_space<hbm>> -> memref<16x1024xf32, #tpu.memory_space<hbm>>
    %dma_wait3A_169 = arith.constant 0 : i32
    %dma_wait3A_170 = tpu.memref_slice %arg4[%add3A_162, %dma_wait3A_169] : memref<8192x1024xf32, #tpu.memory_space<hbm>> -> memref<16x1024xf32, #tpu.memory_space<hbm>>
    tpu.wait_dma2 semaphore(%arg22 : memref<!tpu.dma_semaphore, #tpu.memory_space<semaphore_mem>>) src(%arg8 : memref<16x1024xf32, #tpu.memory_space<vmem>>) dst(%dma_wait3A_170 : memref<16x1024xf32, #tpu.memory_space<hbm>>)
    %get3A_171 = arith.constant 144 : index
    %get3A_172 = tpu.vector_load %arg5[%get3A_171] {strides = array<i32>} : memref<256xi32, #tpu.memory_space<vmem>>, vector<16xi32>,
    %get3A_173 = vector.shape_cast %get3A_172 : vector<16xi32> to vector<16xi32>
    %max3A_174 = arith.constant 0 : i32
    %max3A_175 = vector.broadcast %max3A_174 : i32 to vector<16xi32>
    %max3A_176 = arith.maxsi %get3A_173, %max3A_175 : vector<16xi32>
    %add3A_177 = vector.broadcast %mul3A_18 : i32 to vector<16xi32>
    %add3A_178 = arith.addi %max3A_176, %add3A_177 : vector<16xi32>
    %dma_start3A_179 = arith.constant 0 : i32
    %dma_start3A_180 = arith.constant 0 : i32
    %dma_start3A_181 = tpu.memref_slice %arg2[%dma_start3A_179, %dma_start3A_180] : memref<16384x1024xf32, #tpu.memory_space<hbm>> -> memref<16384x1024xf32, #tpu.memory_space<hbm>>
    tpu.enqueue_indirect_dma source(%dma_start3A_181 : memref<16384x1024xf32, #tpu.memory_space<hbm>>) target(%arg8 : memref<16x1024xf32, #tpu.memory_space<vmem>>) offsets(%add3A_178 : vector<16xi32>) semaphore(%arg15 : memref<!tpu.dma_semaphore, #tpu.memory_space<semaphore_mem>>)
    %dma_wait3A_182 = arith.constant 0 : i32
    %dma_wait3A_183 = arith.constant 0 : i32
    %dma_wait3A_184 = tpu.memref_slice %arg2[%dma_wait3A_182, %dma_wait3A_183] : memref<16384x1024xf32, #tpu.memory_space<hbm>> -> memref<16384x1024xf32, #tpu.memory_space<hbm>>
    tpu.wait_indirect_dma semaphore(%arg16 : memref<!tpu.dma_semaphore, #tpu.memory_space<semaphore_mem>>) src(%dma_wait3A_184 : memref<16384x1024xf32, #tpu.memory_space<hbm>>) dst(%arg9 : memref<16x1024xf32, #tpu.memory_space<vmem>>)
    %add3A_185 = arith.constant 48 : i32
    %add3A_186 = arith.addi %mul3A_20, %add3A_185 : i32
    %dma_start3A_187 = arith.constant 0 : i32
    %dma_start3A_188 = tpu.memref_slice %arg4[%add3A_186, %dma_start3A_187] : memref<8192x1024xf32, #tpu.memory_space<hbm>> -> memref<16x1024xf32, #tpu.memory_space<hbm>>
    %dma_start3A_189 = arith.constant 0 : i32
    %dma_start3A_190 = tpu.memref_slice %arg4[%add3A_186, %dma_start3A_189] : memref<8192x1024xf32, #tpu.memory_space<hbm>> -> memref<16x1024xf32, #tpu.memory_space<hbm>>
    tpu.enqueue_dma source(%arg9 : memref<16x1024xf32, #tpu.memory_space<vmem>>) target(%dma_start3A_190 : memref<16x1024xf32, #tpu.memory_space<hbm>>) target_semaphore(%arg23 : memref<!tpu.dma_semaphore, #tpu.memory_space<semaphore_mem>>)
    %dma_wait3A_191 = arith.constant 0 : i32
    %dma_wait3A_192 = tpu.memref_slice %arg4[%add3A_186, %dma_wait3A_191] : memref<8192x1024xf32, #tpu.memory_space<hbm>> -> memref<16x1024xf32, #tpu.memory_space<hbm>>
    %dma_wait3A_193 = arith.constant 0 : i32
    %dma_wait3A_194 = tpu.memref_slice %arg4[%add3A_186, %dma_wait3A_193] : memref<8192x1024xf32, #tpu.memory_space<hbm>> -> memref<16x1024xf32, #tpu.memory_space<hbm>>
    tpu.wait_dma2 semaphore(%arg23 : memref<!tpu.dma_semaphore, #tpu.memory_space<semaphore_mem>>) src(%arg9 : memref<16x1024xf32, #tpu.memory_space<vmem>>) dst(%dma_wait3A_194 : memref<16x1024xf32, #tpu.memory_space<hbm>>)
    %get3A_195 = arith.constant 160 : index
    %get3A_196 = tpu.vector_load %arg5[%get3A_195] {strides = array<i32>} : memref<256xi32, #tpu.memory_space<vmem>>, vector<16xi32>,
    %get3A_197 = vector.shape_cast %get3A_196 : vector<16xi32> to vector<16xi32>
    %max3A_198 = arith.constant 0 : i32
    %max3A_199 = vector.broadcast %max3A_198 : i32 to vector<16xi32>
    %max3A_200 = arith.maxsi %get3A_197, %max3A_199 : vector<16xi32>
    %add3A_201 = vector.broadcast %mul3A_18 : i32 to vector<16xi32>
    %add3A_202 = arith.addi %max3A_200, %add3A_201 : vector<16xi32>
    %dma_start3A_203 = arith.constant 0 : i32
    %dma_start3A_204 = arith.constant 0 : i32
    %dma_start3A_205 = tpu.memref_slice %arg2[%dma_start3A_203, %dma_start3A_204] : memref<16384x1024xf32, #tpu.memory_space<hbm>> -> memref<16384x1024xf32, #tpu.memory_space<hbm>>
    tpu.enqueue_indirect_dma source(%dma_start3A_205 : memref<16384x1024xf32, #tpu.memory_space<hbm>>) target(%arg9 : memref<16x1024xf32, #tpu.memory_space<vmem>>) offsets(%add3A_202 : vector<16xi32>) semaphore(%arg16 : memref<!tpu.dma_semaphore, #tpu.memory_space<semaphore_mem>>)
    %dma_wait3A_206 = arith.constant 0 : i32
    %dma_wait3A_207 = arith.constant 0 : i32
    %dma_wait3A_208 = tpu.memref_slice %arg2[%dma_wait3A_206, %dma_wait3A_207] : memref<16384x1024xf32, #tpu.memory_space<hbm>> -> memref<16384x1024xf32, #tpu.memory_space<hbm>>
    tpu.wait_indirect_dma semaphore(%arg17 : memref<!tpu.dma_semaphore, #tpu.memory_space<semaphore_mem>>) src(%dma_wait3A_208 : memref<16384x1024xf32, #tpu.memory_space<hbm>>) dst(%arg10 : memref<16x1024xf32, #tpu.memory_space<vmem>>)
    %add3A_209 = arith.constant 64 : i32
    %add3A_210 = arith.addi %mul3A_20, %add3A_209 : i32
    %dma_start3A_211 = arith.constant 0 : i32
    %dma_start3A_212 = tpu.memref_slice %arg4[%add3A_210, %dma_start3A_211] : memref<8192x1024xf32, #tpu.memory_space<hbm>> -> memref<16x1024xf32, #tpu.memory_space<hbm>>
    %dma_start3A_213 = arith.constant 0 : i32
    %dma_start3A_214 = tpu.memref_slice %arg4[%add3A_210, %dma_start3A_213] : memref<8192x1024xf32, #tpu.memory_space<hbm>> -> memref<16x1024xf32, #tpu.memory_space<hbm>>
    tpu.enqueue_dma source(%arg10 : memref<16x1024xf32, #tpu.memory_space<vmem>>) target(%dma_start3A_214 : memref<16x1024xf32, #tpu.memory_space<hbm>>) target_semaphore(%arg24 : memref<!tpu.dma_semaphore, #tpu.memory_space<semaphore_mem>>)
    %dma_wait3A_215 = arith.constant 0 : i32
    %dma_wait3A_216 = tpu.memref_slice %arg4[%add3A_210, %dma_wait3A_215] : memref<8192x1024xf32, #tpu.memory_space<hbm>> -> memref<16x1024xf32, #tpu.memory_space<hbm>>
    %dma_wait3A_217 = arith.constant 0 : i32
    %dma_wait3A_218 = tpu.memref_slice %arg4[%add3A_210, %dma_wait3A_217] : memref<8192x1024xf32, #tpu.memory_space<hbm>> -> memref<16x1024xf32, #tpu.memory_space<hbm>>
    tpu.wait_dma2 semaphore(%arg24 : memref<!tpu.dma_semaphore, #tpu.memory_space<semaphore_mem>>) src(%arg10 : memref<16x1024xf32, #tpu.memory_space<vmem>>) dst(%dma_wait3A_218 : memref<16x1024xf32, #tpu.memory_space<hbm>>)
    %get3A_219 = arith.constant 176 : index
    %get3A_220 = tpu.vector_load %arg5[%get3A_219] {strides = array<i32>} : memref<256xi32, #tpu.memory_space<vmem>>, vector<16xi32>,
    %get3A_221 = vector.shape_cast %get3A_220 : vector<16xi32> to vector<16xi32>
    %max3A_222 = arith.constant 0 : i32
    %max3A_223 = vector.broadcast %max3A_222 : i32 to vector<16xi32>
    %max3A_224 = arith.maxsi %get3A_221, %max3A_223 : vector<16xi32>
    %add3A_225 = vector.broadcast %mul3A_18 : i32 to vector<16xi32>
    %add3A_226 = arith.addi %max3A_224, %add3A_225 : vector<16xi32>
    %dma_start3A_227 = arith.constant 0 : i32
    %dma_start3A_228 = arith.constant 0 : i32
    %dma_start3A_229 = tpu.memref_slice %arg2[%dma_start3A_227, %dma_start3A_228] : memref<16384x1024xf32, #tpu.memory_space<hbm>> -> memref<16384x1024xf32, #tpu.memory_space<hbm>>
    tpu.enqueue_indirect_dma source(%dma_start3A_229 : memref<16384x1024xf32, #tpu.memory_space<hbm>>) target(%arg10 : memref<16x1024xf32, #tpu.memory_space<vmem>>) offsets(%add3A_226 : vector<16xi32>) semaphore(%arg17 : memref<!tpu.dma_semaphore, #tpu.memory_space<semaphore_mem>>)
    %dma_wait3A_230 = arith.constant 0 : i32
    %dma_wait3A_231 = arith.constant 0 : i32
    %dma_wait3A_232 = tpu.memref_slice %arg2[%dma_wait3A_230, %dma_wait3A_231] : memref<16384x1024xf32, #tpu.memory_space<hbm>> -> memref<16384x1024xf32, #tpu.memory_space<hbm>>
    tpu.wait_indirect_dma semaphore(%arg18 : memref<!tpu.dma_semaphore, #tpu.memory_space<semaphore_mem>>) src(%dma_wait3A_232 : memref<16384x1024xf32, #tpu.memory_space<hbm>>) dst(%arg11 : memref<16x1024xf32, #tpu.memory_space<vmem>>)
    %add3A_233 = arith.constant 80 : i32
    %add3A_234 = arith.addi %mul3A_20, %add3A_233 : i32
    %dma_start3A_235 = arith.constant 0 : i32
    %dma_start3A_236 = tpu.memref_slice %arg4[%add3A_234, %dma_start3A_235] : memref<8192x1024xf32, #tpu.memory_space<hbm>> -> memref<16x1024xf32, #tpu.memory_space<hbm>>
    %dma_start3A_237 = arith.constant 0 : i32
    %dma_start3A_238 = tpu.memref_slice %arg4[%add3A_234, %dma_start3A_237] : memref<8192x1024xf32, #tpu.memory_space<hbm>> -> memref<16x1024xf32, #tpu.memory_space<hbm>>
    tpu.enqueue_dma source(%arg11 : memref<16x1024xf32, #tpu.memory_space<vmem>>) target(%dma_start3A_238 : memref<16x1024xf32, #tpu.memory_space<hbm>>) target_semaphore(%arg25 : memref<!tpu.dma_semaphore, #tpu.memory_space<semaphore_mem>>)
    %dma_wait3A_239 = arith.constant 0 : i32
    %dma_wait3A_240 = tpu.memref_slice %arg4[%add3A_234, %dma_wait3A_239] : memref<8192x1024xf32, #tpu.memory_space<hbm>> -> memref<16x1024xf32, #tpu.memory_space<hbm>>
    %dma_wait3A_241 = arith.constant 0 : i32
    %dma_wait3A_242 = tpu.memref_slice %arg4[%add3A_234, %dma_wait3A_241] : memref<8192x1024xf32, #tpu.memory_space<hbm>> -> memref<16x1024xf32, #tpu.memory_space<hbm>>
    tpu.wait_dma2 semaphore(%arg25 : memref<!tpu.dma_semaphore, #tpu.memory_space<semaphore_mem>>) src(%arg11 : memref<16x1024xf32, #tpu.memory_space<vmem>>) dst(%dma_wait3A_242 : memref<16x1024xf32, #tpu.memory_space<hbm>>)
    %get3A_243 = arith.constant 192 : index
    %get3A_244 = tpu.vector_load %arg5[%get3A_243] {strides = array<i32>} : memref<256xi32, #tpu.memory_space<vmem>>, vector<16xi32>,
    %get3A_245 = vector.shape_cast %get3A_244 : vector<16xi32> to vector<16xi32>
    %max3A_246 = arith.constant 0 : i32
    %max3A_247 = vector.broadcast %max3A_246 : i32 to vector<16xi32>
    %max3A_248 = arith.maxsi %get3A_245, %max3A_247 : vector<16xi32>
    %add3A_249 = vector.broadcast %mul3A_18 : i32 to vector<16xi32>
    %add3A_250 = arith.addi %max3A_248, %add3A_249 : vector<16xi32>
    %dma_start3A_251 = arith.constant 0 : i32
    %dma_start3A_252 = arith.constant 0 : i32
    %dma_start3A_253 = tpu.memref_slice %arg2[%dma_start3A_251, %dma_start3A_252] : memref<16384x1024xf32, #tpu.memory_space<hbm>> -> memref<16384x1024xf32, #tpu.memory_space<hbm>>
    tpu.enqueue_indirect_dma source(%dma_start3A_253 : memref<16384x1024xf32, #tpu.memory_space<hbm>>) target(%arg11 : memref<16x1024xf32, #tpu.memory_space<vmem>>) offsets(%add3A_250 : vector<16xi32>) semaphore(%arg18 : memref<!tpu.dma_semaphore, #tpu.memory_space<semaphore_mem>>)
    %dma_wait3A_254 = arith.constant 0 : i32
    %dma_wait3A_255 = arith.constant 0 : i32
    %dma_wait3A_256 = tpu.memref_slice %arg2[%dma_wait3A_254, %dma_wait3A_255] : memref<16384x1024xf32, #tpu.memory_space<hbm>> -> memref<16384x1024xf32, #tpu.memory_space<hbm>>
    tpu.wait_indirect_dma semaphore(%arg19 : memref<!tpu.dma_semaphore, #tpu.memory_space<semaphore_mem>>) src(%dma_wait3A_256 : memref<16384x1024xf32, #tpu.memory_space<hbm>>) dst(%arg12 : memref<16x1024xf32, #tpu.memory_space<vmem>>)
    %add3A_257 = arith.constant 96 : i32
    %add3A_258 = arith.addi %mul3A_20, %add3A_257 : i32
    %dma_start3A_259 = arith.constant 0 : i32
    %dma_start3A_260 = tpu.memref_slice %arg4[%add3A_258, %dma_start3A_259] : memref<8192x1024xf32, #tpu.memory_space<hbm>> -> memref<16x1024xf32, #tpu.memory_space<hbm>>
    %dma_start3A_261 = arith.constant 0 : i32
    %dma_start3A_262 = tpu.memref_slice %arg4[%add3A_258, %dma_start3A_261] : memref<8192x1024xf32, #tpu.memory_space<hbm>> -> memref<16x1024xf32, #tpu.memory_space<hbm>>
    tpu.enqueue_dma source(%arg12 : memref<16x1024xf32, #tpu.memory_space<vmem>>) target(%dma_start3A_262 : memref<16x1024xf32, #tpu.memory_space<hbm>>) target_semaphore(%arg26 : memref<!tpu.dma_semaphore, #tpu.memory_space<semaphore_mem>>)
    %dma_wait3A_263 = arith.constant 0 : i32
    %dma_wait3A_264 = tpu.memref_slice %arg4[%add3A_258, %dma_wait3A_263] : memref<8192x1024xf32, #tpu.memory_space<hbm>> -> memref<16x1024xf32, #tpu.memory_space<hbm>>
    %dma_wait3A_265 = arith.constant 0 : i32
    %dma_wait3A_266 = tpu.memref_slice %arg4[%add3A_258, %dma_wait3A_265] : memref<8192x1024xf32, #tpu.memory_space<hbm>> -> memref<16x1024xf32, #tpu.memory_space<hbm>>
    tpu.wait_dma2 semaphore(%arg26 : memref<!tpu.dma_semaphore, #tpu.memory_space<semaphore_mem>>) src(%arg12 : memref<16x1024xf32, #tpu.memory_space<vmem>>) dst(%dma_wait3A_266 : memref<16x1024xf32, #tpu.memory_space<hbm>>)
    %get3A_267 = arith.constant 208 : index
    %get3A_268 = tpu.vector_load %arg5[%get3A_267] {strides = array<i32>} : memref<256xi32, #tpu.memory_space<vmem>>, vector<16xi32>,
    %get3A_269 = vector.shape_cast %get3A_268 : vector<16xi32> to vector<16xi32>
    %max3A_270 = arith.constant 0 : i32
    %max3A_271 = vector.broadcast %max3A_270 : i32 to vector<16xi32>
    %max3A_272 = arith.maxsi %get3A_269, %max3A_271 : vector<16xi32>
    %add3A_273 = vector.broadcast %mul3A_18 : i32 to vector<16xi32>
    %add3A_274 = arith.addi %max3A_272, %add3A_273 : vector<16xi32>
    %dma_start3A_275 = arith.constant 0 : i32
    %dma_start3A_276 = arith.constant 0 : i32
    %dma_start3A_277 = tpu.memref_slice %arg2[%dma_start3A_275, %dma_start3A_276] : memref<16384x1024xf32, #tpu.memory_space<hbm>> -> memref<16384x1024xf32, #tpu.memory_space<hbm>>
    tpu.enqueue_indirect_dma source(%dma_start3A_277 : memref<16384x1024xf32, #tpu.memory_space<hbm>>) target(%arg12 : memref<16x1024xf32, #tpu.memory_space<vmem>>) offsets(%add3A_274 : vector<16xi32>) semaphore(%arg19 : memref<!tpu.dma_semaphore, #tpu.memory_space<semaphore_mem>>)
    %dma_wait3A_278 = arith.constant 0 : i32
    %dma_wait3A_279 = arith.constant 0 : i32
    %dma_wait3A_280 = tpu.memref_slice %arg2[%dma_wait3A_278, %dma_wait3A_279] : memref<16384x1024xf32, #tpu.memory_space<hbm>> -> memref<16384x1024xf32, #tpu.memory_space<hbm>>
    tpu.wait_indirect_dma semaphore(%arg13 : memref<!tpu.dma_semaphore, #tpu.memory_space<semaphore_mem>>) src(%dma_wait3A_280 : memref<16384x1024xf32, #tpu.memory_space<hbm>>) dst(%arg6 : memref<16x1024xf32, #tpu.memory_space<vmem>>)
    %add3A_281 = arith.constant 112 : i32
    %add3A_282 = arith.addi %mul3A_20, %add3A_281 : i32
    %dma_start3A_283 = arith.constant 0 : i32
    %dma_start3A_284 = tpu.memref_slice %arg4[%add3A_282, %dma_start3A_283] : memref<8192x1024xf32, #tpu.memory_space<hbm>> -> memref<16x1024xf32, #tpu.memory_space<hbm>>
    %dma_start3A_285 = arith.constant 0 : i32
    %dma_start3A_286 = tpu.memref_slice %arg4[%add3A_282, %dma_start3A_285] : memref<8192x1024xf32, #tpu.memory_space<hbm>> -> memref<16x1024xf32, #tpu.memory_space<hbm>>
    tpu.enqueue_dma source(%arg6 : memref<16x1024xf32, #tpu.memory_space<vmem>>) target(%dma_start3A_286 : memref<16x1024xf32, #tpu.memory_space<hbm>>) target_semaphore(%arg20 : memref<!tpu.dma_semaphore, #tpu.memory_space<semaphore_mem>>)
    %dma_wait3A_287 = arith.constant 0 : i32
    %dma_wait3A_288 = tpu.memref_slice %arg4[%add3A_282, %dma_wait3A_287] : memref<8192x1024xf32, #tpu.memory_space<hbm>> -> memref<16x1024xf32, #tpu.memory_space<hbm>>
    %dma_wait3A_289 = arith.constant 0 : i32
    %dma_wait3A_290 = tpu.memref_slice %arg4[%add3A_282, %dma_wait3A_289] : memref<8192x1024xf32, #tpu.memory_space<hbm>> -> memref<16x1024xf32, #tpu.memory_space<hbm>>
    tpu.wait_dma2 semaphore(%arg20 : memref<!tpu.dma_semaphore, #tpu.memory_space<semaphore_mem>>) src(%arg6 : memref<16x1024xf32, #tpu.memory_space<vmem>>) dst(%dma_wait3A_290 : memref<16x1024xf32, #tpu.memory_space<hbm>>)
    %get3A_291 = arith.constant 224 : index
    %get3A_292 = tpu.vector_load %arg5[%get3A_291] {strides = array<i32>} : memref<256xi32, #tpu.memory_space<vmem>>, vector<16xi32>,
    %get3A_293 = vector.shape_cast %get3A_292 : vector<16xi32> to vector<16xi32>
    %max3A_294 = arith.constant 0 : i32
    %max3A_295 = vector.broadcast %max3A_294 : i32 to vector<16xi32>
    %max3A_296 = arith.maxsi %get3A_293, %max3A_295 : vector<16xi32>
    %add3A_297 = vector.broadcast %mul3A_18 : i32 to vector<16xi32>
    %add3A_298 = arith.addi %max3A_296, %add3A_297 : vector<16xi32>
    %dma_start3A_299 = arith.constant 0 : i32
    %dma_start3A_300 = arith.constant 0 : i32
    %dma_start3A_301 = tpu.memref_slice %arg2[%dma_start3A_299, %dma_start3A_300] : memref<16384x1024xf32, #tpu.memory_space<hbm>> -> memref<16384x1024xf32, #tpu.memory_space<hbm>>
    tpu.enqueue_indirect_dma source(%dma_start3A_301 : memref<16384x1024xf32, #tpu.memory_space<hbm>>) target(%arg6 : memref<16x1024xf32, #tpu.memory_space<vmem>>) offsets(%add3A_298 : vector<16xi32>) semaphore(%arg13 : memref<!tpu.dma_semaphore, #tpu.memory_space<semaphore_mem>>)
    %dma_wait3A_302 = arith.constant 0 : i32
    %dma_wait3A_303 = arith.constant 0 : i32
    %dma_wait3A_304 = tpu.memref_slice %arg2[%dma_wait3A_302, %dma_wait3A_303] : memref<16384x1024xf32, #tpu.memory_space<hbm>> -> memref<16384x1024xf32, #tpu.memory_space<hbm>>
    tpu.wait_indirect_dma semaphore(%arg14 : memref<!tpu.dma_semaphore, #tpu.memory_space<semaphore_mem>>) src(%dma_wait3A_304 : memref<16384x1024xf32, #tpu.memory_space<hbm>>) dst(%arg7 : memref<16x1024xf32, #tpu.memory_space<vmem>>)
    %add3A_305 = arith.constant 128 : i32
    %add3A_306 = arith.addi %mul3A_20, %add3A_305 : i32
    %dma_start3A_307 = arith.constant 0 : i32
    %dma_start3A_308 = tpu.memref_slice %arg4[%add3A_306, %dma_start3A_307] : memref<8192x1024xf32, #tpu.memory_space<hbm>> -> memref<16x1024xf32, #tpu.memory_space<hbm>>
    %dma_start3A_309 = arith.constant 0 : i32
    %dma_start3A_310 = tpu.memref_slice %arg4[%add3A_306, %dma_start3A_309] : memref<8192x1024xf32, #tpu.memory_space<hbm>> -> memref<16x1024xf32, #tpu.memory_space<hbm>>
    tpu.enqueue_dma source(%arg7 : memref<16x1024xf32, #tpu.memory_space<vmem>>) target(%dma_start3A_310 : memref<16x1024xf32, #tpu.memory_space<hbm>>) target_semaphore(%arg21 : memref<!tpu.dma_semaphore, #tpu.memory_space<semaphore_mem>>)
    %dma_wait3A_311 = arith.constant 0 : i32
    %dma_wait3A_312 = tpu.memref_slice %arg4[%add3A_306, %dma_wait3A_311] : memref<8192x1024xf32, #tpu.memory_space<hbm>> -> memref<16x1024xf32, #tpu.memory_space<hbm>>
    %dma_wait3A_313 = arith.constant 0 : i32
    %dma_wait3A_314 = tpu.memref_slice %arg4[%add3A_306, %dma_wait3A_313] : memref<8192x1024xf32, #tpu.memory_space<hbm>> -> memref<16x1024xf32, #tpu.memory_space<hbm>>
    tpu.wait_dma2 semaphore(%arg21 : memref<!tpu.dma_semaphore, #tpu.memory_space<semaphore_mem>>) src(%arg7 : memref<16x1024xf32, #tpu.memory_space<vmem>>) dst(%dma_wait3A_314 : memref<16x1024xf32, #tpu.memory_space<hbm>>)
    %get3A_315 = arith.constant 240 : index
    %get3A_316 = tpu.vector_load %arg5[%get3A_315] {strides = array<i32>} : memref<256xi32, #tpu.memory_space<vmem>>, vector<16xi32>,
    %get3A_317 = vector.shape_cast %get3A_316 : vector<16xi32> to vector<16xi32>
    %max3A_318 = arith.constant 0 : i32
    %max3A_319 = vector.broadcast %max3A_318 : i32 to vector<16xi32>
    %max3A_320 = arith.maxsi %get3A_317, %max3A_319 : vector<16xi32>
    %add3A_321 = vector.broadcast %mul3A_18 : i32 to vector<16xi32>
    %add3A_322 = arith.addi %max3A_320, %add3A_321 : vector<16xi32>
    %dma_start3A_323 = arith.constant 0 : i32
    %dma_start3A_324 = arith.constant 0 : i32
    %dma_start3A_325 = tpu.memref_slice %arg2[%dma_start3A_323, %dma_start3A_324] : memref<16384x1024xf32, #tpu.memory_space<hbm>> -> memref<16384x1024xf32, #tpu.memory_space<hbm>>
    tpu.enqueue_indirect_dma source(%dma_start3A_325 : memref<16384x1024xf32, #tpu.memory_space<hbm>>) target(%arg7 : memref<16x1024xf32, #tpu.memory_space<vmem>>) offsets(%add3A_322 : vector<16xi32>) semaphore(%arg14 : memref<!tpu.dma_semaphore, #tpu.memory_space<semaphore_mem>>)
    %dma_wait3A_326 = arith.constant 0 : i32
    %dma_wait3A_327 = arith.constant 0 : i32
    %dma_wait3A_328 = tpu.memref_slice %arg2[%dma_wait3A_326, %dma_wait3A_327] : memref<16384x1024xf32, #tpu.memory_space<hbm>> -> memref<16384x1024xf32, #tpu.memory_space<hbm>>
    tpu.wait_indirect_dma semaphore(%arg15 : memref<!tpu.dma_semaphore, #tpu.memory_space<semaphore_mem>>) src(%dma_wait3A_328 : memref<16384x1024xf32, #tpu.memory_space<hbm>>) dst(%arg8 : memref<16x1024xf32, #tpu.memory_space<vmem>>)
    %add3A_329 = arith.constant 144 : i32
    %add3A_330 = arith.addi %mul3A_20, %add3A_329 : i32
    %dma_start3A_331 = arith.constant 0 : i32
    %dma_start3A_332 = tpu.memref_slice %arg4[%add3A_330, %dma_start3A_331] : memref<8192x1024xf32, #tpu.memory_space<hbm>> -> memref<16x1024xf32, #tpu.memory_space<hbm>>
    %dma_start3A_333 = arith.constant 0 : i32
    %dma_start3A_334 = tpu.memref_slice %arg4[%add3A_330, %dma_start3A_333] : memref<8192x1024xf32, #tpu.memory_space<hbm>> -> memref<16x1024xf32, #tpu.memory_space<hbm>>
    tpu.enqueue_dma source(%arg8 : memref<16x1024xf32, #tpu.memory_space<vmem>>) target(%dma_start3A_334 : memref<16x1024xf32, #tpu.memory_space<hbm>>) target_semaphore(%arg22 : memref<!tpu.dma_semaphore, #tpu.memory_space<semaphore_mem>>)
    %dma_wait3A_335 = arith.constant 0 : i32
    %dma_wait3A_336 = arith.constant 0 : i32
    %dma_wait3A_337 = tpu.memref_slice %arg2[%dma_wait3A_335, %dma_wait3A_336] : memref<16384x1024xf32, #tpu.memory_space<hbm>> -> memref<16384x1024xf32, #tpu.memory_space<hbm>>
    tpu.wait_indirect_dma semaphore(%arg16 : memref<!tpu.dma_semaphore, #tpu.memory_space<semaphore_mem>>) src(%dma_wait3A_337 : memref<16384x1024xf32, #tpu.memory_space<hbm>>) dst(%arg9 : memref<16x1024xf32, #tpu.memory_space<vmem>>)
    %add3A_338 = arith.constant 160 : i32
    %add3A_339 = arith.addi %mul3A_20, %add3A_338 : i32
    %dma_start3A_340 = arith.constant 0 : i32
    %dma_start3A_341 = tpu.memref_slice %arg4[%add3A_339, %dma_start3A_340] : memref<8192x1024xf32, #tpu.memory_space<hbm>> -> memref<16x1024xf32, #tpu.memory_space<hbm>>
    %dma_start3A_342 = arith.constant 0 : i32
    %dma_start3A_343 = tpu.memref_slice %arg4[%add3A_339, %dma_start3A_342] : memref<8192x1024xf32, #tpu.memory_space<hbm>> -> memref<16x1024xf32, #tpu.memory_space<hbm>>
    tpu.enqueue_dma source(%arg9 : memref<16x1024xf32, #tpu.memory_space<vmem>>) target(%dma_start3A_343 : memref<16x1024xf32, #tpu.memory_space<hbm>>) target_semaphore(%arg23 : memref<!tpu.dma_semaphore, #tpu.memory_space<semaphore_mem>>)
    %dma_wait3A_344 = arith.constant 0 : i32
    %dma_wait3A_345 = arith.constant 0 : i32
    %dma_wait3A_346 = tpu.memref_slice %arg2[%dma_wait3A_344, %dma_wait3A_345] : memref<16384x1024xf32, #tpu.memory_space<hbm>> -> memref<16384x1024xf32, #tpu.memory_space<hbm>>
    tpu.wait_indirect_dma semaphore(%arg17 : memref<!tpu.dma_semaphore, #tpu.memory_space<semaphore_mem>>) src(%dma_wait3A_346 : memref<16384x1024xf32, #tpu.memory_space<hbm>>) dst(%arg10 : memref<16x1024xf32, #tpu.memory_space<vmem>>)
    %add3A_347 = arith.constant 176 : i32
    %add3A_348 = arith.addi %mul3A_20, %add3A_347 : i32
    %dma_start3A_349 = arith.constant 0 : i32
    %dma_start3A_350 = tpu.memref_slice %arg4[%add3A_348, %dma_start3A_349] : memref<8192x1024xf32, #tpu.memory_space<hbm>> -> memref<16x1024xf32, #tpu.memory_space<hbm>>
    %dma_start3A_351 = arith.constant 0 : i32
    %dma_start3A_352 = tpu.memref_slice %arg4[%add3A_348, %dma_start3A_351] : memref<8192x1024xf32, #tpu.memory_space<hbm>> -> memref<16x1024xf32, #tpu.memory_space<hbm>>
    tpu.enqueue_dma source(%arg10 : memref<16x1024xf32, #tpu.memory_space<vmem>>) target(%dma_start3A_352 : memref<16x1024xf32, #tpu.memory_space<hbm>>) target_semaphore(%arg24 : memref<!tpu.dma_semaphore, #tpu.memory_space<semaphore_mem>>)
    %dma_wait3A_353 = arith.constant 0 : i32
    %dma_wait3A_354 = arith.constant 0 : i32
    %dma_wait3A_355 = tpu.memref_slice %arg2[%dma_wait3A_353, %dma_wait3A_354] : memref<16384x1024xf32, #tpu.memory_space<hbm>> -> memref<16384x1024xf32, #tpu.memory_space<hbm>>
    tpu.wait_indirect_dma semaphore(%arg18 : memref<!tpu.dma_semaphore, #tpu.memory_space<semaphore_mem>>) src(%dma_wait3A_355 : memref<16384x1024xf32, #tpu.memory_space<hbm>>) dst(%arg11 : memref<16x1024xf32, #tpu.memory_space<vmem>>)
    %add3A_356 = arith.constant 192 : i32
    %add3A_357 = arith.addi %mul3A_20, %add3A_356 : i32
    %dma_start3A_358 = arith.constant 0 : i32
    %dma_start3A_359 = tpu.memref_slice %arg4[%add3A_357, %dma_start3A_358] : memref<8192x1024xf32, #tpu.memory_space<hbm>> -> memref<16x1024xf32, #tpu.memory_space<hbm>>
    %dma_start3A_360 = arith.constant 0 : i32
    %dma_start3A_361 = tpu.memref_slice %arg4[%add3A_357, %dma_start3A_360] : memref<8192x1024xf32, #tpu.memory_space<hbm>> -> memref<16x1024xf32, #tpu.memory_space<hbm>>
    tpu.enqueue_dma source(%arg11 : memref<16x1024xf32, #tpu.memory_space<vmem>>) target(%dma_start3A_361 : memref<16x1024xf32, #tpu.memory_space<hbm>>) target_semaphore(%arg25 : memref<!tpu.dma_semaphore, #tpu.memory_space<semaphore_mem>>)
    %dma_wait3A_362 = arith.constant 0 : i32
    %dma_wait3A_363 = arith.constant 0 : i32
    %dma_wait3A_364 = tpu.memref_slice %arg2[%dma_wait3A_362, %dma_wait3A_363] : memref<16384x1024xf32, #tpu.memory_space<hbm>> -> memref<16384x1024xf32, #tpu.memory_space<hbm>>
    tpu.wait_indirect_dma semaphore(%arg19 : memref<!tpu.dma_semaphore, #tpu.memory_space<semaphore_mem>>) src(%dma_wait3A_364 : memref<16384x1024xf32, #tpu.memory_space<hbm>>) dst(%arg12 : memref<16x1024xf32, #tpu.memory_space<vmem>>)
    %add3A_365 = arith.constant 208 : i32
    %add3A_366 = arith.addi %mul3A_20, %add3A_365 : i32
    %dma_start3A_367 = arith.constant 0 : i32
    %dma_start3A_368 = tpu.memref_slice %arg4[%add3A_366, %dma_start3A_367] : memref<8192x1024xf32, #tpu.memory_space<hbm>> -> memref<16x1024xf32, #tpu.memory_space<hbm>>
    %dma_start3A_369 = arith.constant 0 : i32
    %dma_start3A_370 = tpu.memref_slice %arg4[%add3A_366, %dma_start3A_369] : memref<8192x1024xf32, #tpu.memory_space<hbm>> -> memref<16x1024xf32, #tpu.memory_space<hbm>>
    tpu.enqueue_dma source(%arg12 : memref<16x1024xf32, #tpu.memory_space<vmem>>) target(%dma_start3A_370 : memref<16x1024xf32, #tpu.memory_space<hbm>>) target_semaphore(%arg26 : memref<!tpu.dma_semaphore, #tpu.memory_space<semaphore_mem>>)
    %dma_wait3A_371 = arith.constant 0 : i32
    %dma_wait3A_372 = arith.constant 0 : i32
    %dma_wait3A_373 = tpu.memref_slice %arg2[%dma_wait3A_371, %dma_wait3A_372] : memref<16384x1024xf32, #tpu.memory_space<hbm>> -> memref<16384x1024xf32, #tpu.memory_space<hbm>>
    tpu.wait_indirect_dma semaphore(%arg13 : memref<!tpu.dma_semaphore, #tpu.memory_space<semaphore_mem>>) src(%dma_wait3A_373 : memref<16384x1024xf32, #tpu.memory_space<hbm>>) dst(%arg6 : memref<16x1024xf32, #tpu.memory_space<vmem>>)
    %add3A_374 = arith.constant 224 : i32
    %add3A_375 = arith.addi %mul3A_20, %add3A_374 : i32
    %dma_start3A_376 = arith.constant 0 : i32
    %dma_start3A_377 = tpu.memref_slice %arg4[%add3A_375, %dma_start3A_376] : memref<8192x1024xf32, #tpu.memory_space<hbm>> -> memref<16x1024xf32, #tpu.memory_space<hbm>>
    %dma_start3A_378 = arith.constant 0 : i32
    %dma_start3A_379 = tpu.memref_slice %arg4[%add3A_375, %dma_start3A_378] : memref<8192x1024xf32, #tpu.memory_space<hbm>> -> memref<16x1024xf32, #tpu.memory_space<hbm>>
    tpu.enqueue_dma source(%arg6 : memref<16x1024xf32, #tpu.memory_space<vmem>>) target(%dma_start3A_379 : memref<16x1024xf32, #tpu.memory_space<hbm>>) target_semaphore(%arg20 : memref<!tpu.dma_semaphore, #tpu.memory_space<semaphore_mem>>)
    %dma_wait3A_380 = arith.constant 0 : i32
    %dma_wait3A_381 = arith.constant 0 : i32
    %dma_wait3A_382 = tpu.memref_slice %arg2[%dma_wait3A_380, %dma_wait3A_381] : memref<16384x1024xf32, #tpu.memory_space<hbm>> -> memref<16384x1024xf32, #tpu.memory_space<hbm>>
    tpu.wait_indirect_dma semaphore(%arg14 : memref<!tpu.dma_semaphore, #tpu.memory_space<semaphore_mem>>) src(%dma_wait3A_382 : memref<16384x1024xf32, #tpu.memory_space<hbm>>) dst(%arg7 : memref<16x1024xf32, #tpu.memory_space<vmem>>)
    %add3A_383 = arith.constant 240 : i32
    %add3A_384 = arith.addi %mul3A_20, %add3A_383 : i32
    %dma_start3A_385 = arith.constant 0 : i32
    %dma_start3A_386 = tpu.memref_slice %arg4[%add3A_384, %dma_start3A_385] : memref<8192x1024xf32, #tpu.memory_space<hbm>> -> memref<16x1024xf32, #tpu.memory_space<hbm>>
    %dma_start3A_387 = arith.constant 0 : i32
    %dma_start3A_388 = tpu.memref_slice %arg4[%add3A_384, %dma_start3A_387] : memref<8192x1024xf32, #tpu.memory_space<hbm>> -> memref<16x1024xf32, #tpu.memory_space<hbm>>
    tpu.enqueue_dma source(%arg7 : memref<16x1024xf32, #tpu.memory_space<vmem>>) target(%dma_start3A_388 : memref<16x1024xf32, #tpu.memory_space<hbm>>) target_semaphore(%arg21 : memref<!tpu.dma_semaphore, #tpu.memory_space<semaphore_mem>>)
    %dma_wait3A_389 = arith.constant 0 : i32
    %dma_wait3A_390 = tpu.memref_slice %arg4[%add3A_330, %dma_wait3A_389] : memref<8192x1024xf32, #tpu.memory_space<hbm>> -> memref<16x1024xf32, #tpu.memory_space<hbm>>
    %dma_wait3A_391 = arith.constant 0 : i32
    %dma_wait3A_392 = tpu.memref_slice %arg4[%add3A_330, %dma_wait3A_391] : memref<8192x1024xf32, #tpu.memory_space<hbm>> -> memref<16x1024xf32, #tpu.memory_space<hbm>>
    tpu.wait_dma2 semaphore(%arg22 : memref<!tpu.dma_semaphore, #tpu.memory_space<semaphore_mem>>) src(%arg8 : memref<16x1024xf32, #tpu.memory_space<vmem>>) dst(%dma_wait3A_392 : memref<16x1024xf32, #tpu.memory_space<hbm>>)
    %dma_wait3A_393 = arith.constant 0 : i32
    %dma_wait3A_394 = tpu.memref_slice %arg4[%add3A_339, %dma_wait3A_393] : memref<8192x1024xf32, #tpu.memory_space<hbm>> -> memref<16x1024xf32, #tpu.memory_space<hbm>>
    %dma_wait3A_395 = arith.constant 0 : i32
    %dma_wait3A_396 = tpu.memref_slice %arg4[%add3A_339, %dma_wait3A_395] : memref<8192x1024xf32, #tpu.memory_space<hbm>> -> memref<16x1024xf32, #tpu.memory_space<hbm>>
    tpu.wait_dma2 semaphore(%arg23 : memref<!tpu.dma_semaphore, #tpu.memory_space<semaphore_mem>>) src(%arg9 : memref<16x1024xf32, #tpu.memory_space<vmem>>) dst(%dma_wait3A_396 : memref<16x1024xf32, #tpu.memory_space<hbm>>)
    %dma_wait3A_397 = arith.constant 0 : i32
    %dma_wait3A_398 = tpu.memref_slice %arg4[%add3A_348, %dma_wait3A_397] : memref<8192x1024xf32, #tpu.memory_space<hbm>> -> memref<16x1024xf32, #tpu.memory_space<hbm>>
    %dma_wait3A_399 = arith.constant 0 : i32
    %dma_wait3A_400 = tpu.memref_slice %arg4[%add3A_348, %dma_wait3A_399] : memref<8192x1024xf32, #tpu.memory_space<hbm>> -> memref<16x1024xf32, #tpu.memory_space<hbm>>
    tpu.wait_dma2 semaphore(%arg24 : memref<!tpu.dma_semaphore, #tpu.memory_space<semaphore_mem>>) src(%arg10 : memref<16x1024xf32, #tpu.memory_space<vmem>>) dst(%dma_wait3A_400 : memref<16x1024xf32, #tpu.memory_space<hbm>>)
    %dma_wait3A_401 = arith.constant 0 : i32
    %dma_wait3A_402 = tpu.memref_slice %arg4[%add3A_357, %dma_wait3A_401] : memref<8192x1024xf32, #tpu.memory_space<hbm>> -> memref<16x1024xf32, #tpu.memory_space<hbm>>
    %dma_wait3A_403 = arith.constant 0 : i32
    %dma_wait3A_404 = tpu.memref_slice %arg4[%add3A_357, %dma_wait3A_403] : memref<8192x1024xf32, #tpu.memory_space<hbm>> -> memref<16x1024xf32, #tpu.memory_space<hbm>>
    tpu.wait_dma2 semaphore(%arg25 : memref<!tpu.dma_semaphore, #tpu.memory_space<semaphore_mem>>) src(%arg11 : memref<16x1024xf32, #tpu.memory_space<vmem>>) dst(%dma_wait3A_404 : memref<16x1024xf32, #tpu.memory_space<hbm>>)
    %dma_wait3A_405 = arith.constant 0 : i32
    %dma_wait3A_406 = tpu.memref_slice %arg4[%add3A_366, %dma_wait3A_405] : memref<8192x1024xf32, #tpu.memory_space<hbm>> -> memref<16x1024xf32, #tpu.memory_space<hbm>>
    %dma_wait3A_407 = arith.constant 0 : i32
    %dma_wait3A_408 = tpu.memref_slice %arg4[%add3A_366, %dma_wait3A_407] : memref<8192x1024xf32, #tpu.memory_space<hbm>> -> memref<16x1024xf32, #tpu.memory_space<hbm>>
    tpu.wait_dma2 semaphore(%arg26 : memref<!tpu.dma_semaphore, #tpu.memory_space<semaphore_mem>>) src(%arg12 : memref<16x1024xf32, #tpu.memory_space<vmem>>) dst(%dma_wait3A_408 : memref<16x1024xf32, #tpu.memory_space<hbm>>)
    %dma_wait3A_409 = arith.constant 0 : i32
    %dma_wait3A_410 = tpu.memref_slice %arg4[%add3A_375, %dma_wait3A_409] : memref<8192x1024xf32, #tpu.memory_space<hbm>> -> memref<16x1024xf32, #tpu.memory_space<hbm>>
    %dma_wait3A_411 = arith.constant 0 : i32
    %dma_wait3A_412 = tpu.memref_slice %arg4[%add3A_375, %dma_wait3A_411] : memref<8192x1024xf32, #tpu.memory_space<hbm>> -> memref<16x1024xf32, #tpu.memory_space<hbm>>
    tpu.wait_dma2 semaphore(%arg20 : memref<!tpu.dma_semaphore, #tpu.memory_space<semaphore_mem>>) src(%arg6 : memref<16x1024xf32, #tpu.memory_space<vmem>>) dst(%dma_wait3A_412 : memref<16x1024xf32, #tpu.memory_space<hbm>>)
    %dma_wait3A_413 = arith.constant 0 : i32
    %dma_wait3A_414 = tpu.memref_slice %arg4[%add3A_384, %dma_wait3A_413] : memref<8192x1024xf32, #tpu.memory_space<hbm>> -> memref<16x1024xf32, #tpu.memory_space<hbm>>
    %dma_wait3A_415 = arith.constant 0 : i32
    %dma_wait3A_416 = tpu.memref_slice %arg4[%add3A_384, %dma_wait3A_415] : memref<8192x1024xf32, #tpu.memory_space<hbm>> -> memref<16x1024xf32, #tpu.memory_space<hbm>>
    tpu.wait_dma2 semaphore(%arg21 : memref<!tpu.dma_semaphore, #tpu.memory_space<semaphore_mem>>) src(%arg7 : memref<16x1024xf32, #tpu.memory_space<vmem>>) dst(%dma_wait3A_416 : memref<16x1024xf32, #tpu.memory_space<hbm>>)
    return
  }
}

</mosaic_0001>

<sc_bundles>
// kernel: kernel.3.cloned.1.call-start
scs
__scs_entry_jumppad:
0x0: {  	(pc) =	sbr.rel $0x88, $3  }
0x1: {  	(tag) =	ssettag $0x0;
	lr =	simm.s32 $0x1  }
0x2: {  	[smem:$0x3F9F] =	sst lr;
	_ =	strace $0xD0000000  }
0x3: {  	_ = 	snop  }
0x4: {  	_ = 	snop  }
0x5: {  	_ = 	snop  }
0x6: {  	_ = 	snop  }
0x7: {  	_ = 	snop  }
__scs_overlays_trampoline_lowered:
0x8: {  	[smem:$0x3FAE] =	sst s0  }
0x9: {  	[smem:$0x3FAF] =	sst s1  }
0xa: {  	[smem:$0x3FB0] =	sst s2  }
0xb: {  	[smem:$0x3FB1] =	sst s3  }
0xc: {  	[smem:$0x3FB2] =	sst s4  }
0xd: {  	[smem:$0x3FB3] =	sst s5  }
0xe: {  	[smem:$0x3FB4] =	sst s6  }
0xf: {  	[smem:$0x3FB5] =	sst s7  }
0x10: {  	[smem:$0x3FB6] =	sst s8  }
0x11: {  	[smem:$0x3FB7] =	sst s9;
	s0 =	simm.s32 @!p0 $0x0  }
0x12: {  	s1 =	sld [smem:$0x3F9D];
	s0 =	simm.s32 @p0 $0x1  }
0x13: {  	[smem:$0x3FB8] =	sst s0;
	s0 =	simm.s32 @!p1 $0x0  }
0x14: {  	s2 =	sld [smem:$0x3F9C];
	s0 =	simm.s32 @p1 $0x1  }
0x15: {  	[smem:$0x3FB9] =	sst s0;
	s0 =	simm.s32 @!p2 $0x0  }
0x16: {  	s3 =	sld [smem:$0x3FDB];
	s0 =	simm.s32 @p2 $0x1  }
0x17: {  	s4 =	simm.s32 $0x1BF5;
	[smem:$0x3FBB] =	sst s0  }
0x18: {  	s0 =	sld [smem:$0x3F9E];
	_ =	swait.ge [sflag:s4], $0x0  }
0x19: {  	s7 =	sld [smem:$0x3F9F]  }
0x1a: {  	s8 =	sadd.s32 $0xFFFFE003, lr  }
0x1b: {  	s9 =	sadd.s32 $0xFFFFFEF7, lr;
	s5 =	simm.s32 $0xFFFFFFFF;
	p2 =	slt.u32 s8, $0xFFFFF086  }
0x1c: {  	p1 =	slt.u32 s9, $0xF7A;
	s5 =	simm.s32 @!p2 $0x0  }
0x1d: {  	s5 =	simm.s32 @p1 $0x1;
	p0 =	seq.s32 s7, s2  }
0x1e: {  	s7 =	smul.u32 @!p0 $0xF7A, s2;
	p2 =	seq.s32 @!p0 s5, $0x0  }
0x1f: {  	s9 =	smul.u32 $0xF7A, s1;
	s8 =	simm.s32 @!p0 $0x1BF5;
	p2 =	por !p2, p0  }
0x20: {  	[sflag:s8] =	ssyncset.s32 @!p0 $0xFFFFF086;
	s6 =	sadd.s32 @!p0 s3, s7;
	s7 =	simm.s32 @!p0 $0x108  }
0x21: {  	s3 =	sadd.s32 s3, s9;
	s6 =	sadd.s32 @!p0 $0x88, s6;
	s7 =	simm.s32 @p2 $0x1082  }
0x22: {  	[simem:s7], [sflag:s8] =	dma.local @!p0 [hbm:s6], $0xF7A  }
0x23: {  	s9 =	sor.u32 $0xD0000000, s2;
	s6 =	simm.s32 $0x108;
	_ =	swait.ge @!p0 [sflag:s8], $0x0  }
0x24: {  	s3 =	sadd.s32 $0x88, s3;
	s6 =	simm.s32 @!p1 $0x1082;
	[sflag:s4] =	ssyncset.s32 $0xFFFFF086  }
0x25: {  	[simem:s6], [sflag:s4] =	dma.local [hbm:s3], $0xF7A  }
0x26: {  	[smem:$0x3F9F] =	sst s1;
	(tag) =	ssettag s2;
	_ =	strace s9  }
0x27: {  	s1 =	sld [smem:$0x3FAF]  }
0x28: {  	s2 =	sld [smem:$0x3FB0]  }
0x29: {  	s4 =	sld [smem:$0x3FB2]  }
0x2a: {  	p0 =	seq.s32 s5, $0x0;
	s5 =	sld [smem:$0x3FB3]  }
0x2b: {  	s6 =	sld [smem:$0x3FB4]  }
0x2c: {  	s7 =	sld [smem:$0x3FB5]  }
0x2d: {  	s3 =	simm.s32 $0x108;
	s8 =	sld [smem:$0x3FB6]  }
0x2e: {  	s3 =	simm.s32 @!p0 $0x1082;
	s9 =	sld [smem:$0x3FB7]  }
0x2f: {  	lr =	sadd.s32 s0, s3;
	s0 =	sld [smem:$0x3FAE]  }
0x30: {  	s3 =	sld [smem:$0x3FB1]  }
0x31: {  	[smem:$0x3FBA] =	sst s10  }
0x32: {  	s10 =	sld [smem:$0x3FB8];
	_ =	sdelay $0x3  }
0x33: {  	p0 =	seq.s32 s10, $0x1;
	s10 =	sld [smem:$0x3FBA];
	_ =	sdelay $0x3  }
0x34: {  	[smem:$0x3FBA] =	sst s10  }
0x35: {  	s10 =	sld [smem:$0x3FB9];
	_ =	sdelay $0x3  }
0x36: {  	p1 =	seq.s32 s10, $0x1;
	s10 =	sld [smem:$0x3FBA];
	_ =	sdelay $0x3  }
0x37: {  	[smem:$0x3FBA] =	sst s10  }
0x38: {  	s10 =	sld [smem:$0x3FBB]  }
0x39: {  	_ = 	snop;
	(pc) =	sbr.ind lr, $3  }
0x3a: {  	_ = 	snop  }
0x3b: {  	_ = 	snop  }
0x3c: {  	p2 =	seq.s32 s10, $0x1;
	s10 =	sld [smem:$0x3FBA]  }
0x3d: {  	_ =	shalt  }
0x3e: {  	_ =	shalt  }
0x3f: {  	_ =	shalt  }
0x40: {  	_ =	shalt  }
0x41: {  	_ =	shalt  }
0x42: {  	_ =	shalt  }
0x43: {  	_ =	shalt  }
0x44: {  	_ =	shalt  }
0x45: {  	_ =	shalt  }
0x46: {  	_ =	shalt  }
0x47: {  	_ =	shalt  }
0x48: {  	_ =	shalt  }
0x49: {  	_ =	shalt  }
0x4a: {  	_ =	shalt  }
0x4b: {  	_ =	shalt  }
0x4c: {  	_ =	shalt  }
0x4d: {  	_ =	shalt  }
0x4e: {  	_ =	shalt  }
0x4f: {  	_ =	shalt  }
0x50: {  	_ =	shalt  }
0x51: {  	_ =	shalt  }
0x52: {  	_ =	shalt  }
0x53: {  	_ =	shalt  }
0x54: {  	_ =	shalt  }
0x55: {  	_ =	shalt  }
0x56: {  	_ =	shalt  }
0x57: {  	_ =	shalt  }
0x58: {  	_ =	shalt  }
0x59: {  	_ =	shalt  }
0x5a: {  	_ =	shalt  }
0x5b: {  	_ =	shalt  }
0x5c: {  	_ =	shalt  }
0x5d: {  	_ =	shalt  }
0x5e: {  	_ =	shalt  }
0x5f: {  	_ =	shalt  }
0x60: {  	_ =	shalt  }
0x61: {  	_ =	shalt  }
0x62: {  	_ =	shalt  }
0x63: {  	_ =	shalt  }
0x64: {  	_ =	shalt  }
0x65: {  	_ =	shalt  }
0x66: {  	_ =	shalt  }
0x67: {  	_ =	shalt  }
0x68: {  	_ =	shalt  }
0x69: {  	_ =	shalt  }
0x6a: {  	_ =	shalt  }
0x6b: {  	_ =	shalt  }
0x6c: {  	_ =	shalt  }
0x6d: {  	_ =	shalt  }
0x6e: {  	_ =	shalt  }
0x6f: {  	_ =	shalt  }
0x70: {  	_ =	shalt  }
0x71: {  	_ =	shalt  }
0x72: {  	_ =	shalt  }
0x73: {  	_ =	shalt  }
0x74: {  	_ =	shalt  }
0x75: {  	_ =	shalt  }
0x76: {  	_ =	shalt  }
0x77: {  	_ =	shalt  }
0x78: {  	_ =	shalt  }
0x79: {  	_ =	shalt  }
0x7a: {  	_ =	shalt  }
0x7b: {  	_ =	shalt  }
0x7c: {  	_ =	shalt  }
0x7d: {  	_ =	shalt  }
0x7e: {  	_ =	shalt  }
0x7f: {  	_ =	shalt  }
0x80: {  	_ =	shalt  }
0x81: {  	_ =	shalt  }
0x82: {  	_ =	shalt  }
0x83: {  	_ =	shalt  }
0x84: {  	_ =	shalt  }
0x85: {  	_ =	shalt  }
0x86: {  	_ =	shalt  }
0x87: {  	_ =	shalt  }
.Lfunc_end0:
.L_simem_size_0:
called_computation_lowered:
.L_overlay_start_0:
0x88: {  	s2 =	sld [smem:$0x3FD9]  }
0x89: {  	s3 =	sld [smem:$0x3FFE];
	_ =	sdelay $0x1  }
0x8a: {  	s1 =	srdreg.scid  }
0x8b: {  	s0 =	sand.u32 $0x1, s1  }
0x8c: {  	s18 =	sshll.u32 s0, $0xA;
	s2 =	sadd.s32 s3, s2  }
0x8d: {  	s2 =	sadd.s32 s2, s18  }
0x8e: {  	[smem:$0x3FC6] =	sst s2  }
0x8f: {  	_ = 	snop  }
0x90: {  	s2 =	sld [smem:$0x3FC9]  }
0x91: {  	s19 =	sld [smem:$0x3FC8]  }
0x92: {  	s4 =	sld [smem:$0x3FD0];
	(tm) =	ssettm $0x1  }
0x93: {  	s5 =	sld [smem:$0x3FFB];
	_ =	sdelay $0x3  }
0x94: {  	_ =	strace s5  }
0x95: {  	s5 =	sld [smem:$0x3FFC];
	_ =	sdelay $0x3  }
0x96: {  	_ =	strace s5  }
0x97: {  	s5 =	sld [smem:$0x3FFD];
	_ =	sdelay $0x3  }
0x98: {  	_ =	strace s5  }
0x99: {  	_ =	strace $0x8FFFFFFF  }
0x9a: {  	s20 =	sld [smem:$0x3FDB];
	_ =	sdelay $0x1  }
0x9b: {  	s6 =	simm.s32 $_scs_section_size  }
0x9c: {  	s7 =	simm.s32 $_size__tile_overlayer_lowered;
	s8 =	simm.s32 $_tile_overlayer_lowered  }
0x9d: {  	s23 =	simm.s32 $0x1BFF;
	s22 =	sshll.u32 s8, $0x1;
	s5 =	sadd.s32 s6, s20  }
0x9e: {  	s9 =	simm.s32 $0x0;
	s21 =	sshll.u32 s7, $0x1;
	s7 =	sadd.s32 s22, s5  }
0x9f: {  	[timem:s9], [sflag:s23] =	dma.local [hbm:s7], s21  }
0xa0: {  	_ =	swait.ge [sflag:s23], s21  }
0xa1: {  	s6 =	ssub.s32 $0x0, s21;
	[sflag:s23] =	ssyncset.done $0x0  }
0xa2: {  	[sflag:s23] =	ssyncadd.s32 s6;
	_ =	sdelay $0x1  }
0xa3: {  	s24 =	simm.s32 $0x1B8B  }
0xa4: {  	_ =	swait.ge [sflag:s24], $0x1  }
0xa5: {  	[sflag:s24] =	ssyncset.done $0x0  }
0xa6: {  	s25 =	simm.s32 $0x1B8E;
	[sflag:s24] =	ssyncadd.s32 $0xFFFFFFFF  }
0xa7: {  	s26 =	simm.s32 $execute0_lowered;
	[smem:$0x3FD2] =	sst s25  }
0xa8: {  	s6 =	sshll.u32 s26, $0x1;
	_ =	strace $0x80000046;
	[dreg:$0x1] =	wrdreg $0xFFFFFFFF  }
0xa9: {  	s28 =	simm.s32 $_size_execute0_lowered;
	s5 =	sadd.s32 s5, s6;
	[dreg:$0x0] =	wrdreg $0x0  }
0xaa: {  	s6 =	sshll.u32 s28, $0x1;
	[dreg:$0x2] =	wrdreg s5  }
0xab: {  	[dreg:$0x3] =	wrdreg s6  }
0xac: {  	[dreg:$0x4] =	wrdreg $0xC0  }
0xad: {  	_ =	task [dreg:s9], $0x5FFFF  }
0xae: {  	[dreg:$0x1] =	wrdreg $0xFFFFFFFF  }
0xaf: {  	[dreg:$0x0] =	wrdreg $0x60  }
0xb0: {  	[dreg:$0x2] =	wrdreg s2  }
0xb1: {  	[dreg:$0x3] =	wrdreg s19  }
0xb2: {  	[dreg:$0x4] =	wrdreg s4  }
0xb3: {  	[dreg:$0x5] =	wrdreg $0x9  }
0xb4: {  	_ =	task.clear_ibuf [dreg:s9], $0x6FFFF;
	_ =	strace $0x90000046  }
0xb5: {  	s29 =	simm.s32 $0x9;
	_ =	strace $0x80000048  }
0xb6: {  	_ =	swait.ge [sflag:s29], $0x1  }
0xb7: {  	[sflag:s29] =	ssyncadd.s32 $0xFFFFFFFF  }
0xb8: {  	_ =	strace $0x90000048  }
0xb9: {  	_ =	sfence  }
0xba: {  	s30 =	sld [smem:$0x0];
	_ =	sdelay $0x2  }
0xbb: {  	s31 =	sshll.u32 s1, $0xD;
	s1 =	sshrl.u32 s1, $0x2  }
0xbc: {  	s3 =	sand.u32 $0x4000, s31;
	s1 =	sadd.s32 s1, s30  }
0xbd: {  	s0 =	sor.u32 s3, s0;
	s1 =	sshll.u32 s1, $0x11  }
0xbe: {  	s0 =	sor.u32 s1, s0  }
0xbf: {  	s0 =	sadd.s32 $0x8F2B, s0  }
0xc0: {  	[sflag:s0] =	ssyncadd.remote.s32 $0x1  }
0xc1: {  	_ =	sfence.sel $0xFFFF  }
0xc2: {  	[dreg:$0x0] =	wrdreg $0xFFFFFFFF;
	(pc) =	sbr.abs _section_cstart, $3  }
0xc3: {  	[dreg:$0x1] =	wrdreg $0xFFFFFFFF  }
0xc4: {  	_ =	task.clear_ibuf [dreg:s9], $0x2FFFF;
	_ =	strace $0x9FFFFFFF  }
0xc5: {  	(tm) =	ssettm $0x7FFFFFFF  }
tec
execute0_lowered:
.L_overlay_start_1:
0x0: {  	(tag) =	ssettag $0x1  }
0x1: {  	s2 =	rddreg [dreg:$0x0]  }
0x2: {  	s0 =	rddreg [dreg:$0x1]  }
0x3: {  	s1 =	rddreg [dreg:$0x2];
	s3 =	srdreg.scid  }
0x4: {  	s6 =	stileid.u32;
	s25 =	simm.s32 $0x80;
	s26 =	simm.s32 $0x200  }
0x5: {  	s4 =	sand.u32 $0x1, s3;
	s5 =	sshll.u32 s6, $0x1;
	s6 =	sshrl.u32 s6, $0x2  }
0x6: {  	s3 =	simm.s32 $0x0;
	s5 =	sor.u32 s4, s5;
	s8 =	sshll.u32 s6, $0x4  }
0x7: {  	[smem:$0x7FF] =	sst s3;
	s7 =	sshll.u32 s5, $0x7;
	s0 =	sadd.s32 s0, s8  }
0x8: {  	s5 =	sshll.u32 s5, $0xF;
	_ =	strace $0x80000047;
	[dreg:$0x14] =	wrdreg s25  }
0x9: {  	[dreg:$0x15] =	wrdreg s26;
	s7 =	sand.u32 $0x380, s7;
	s8 =	sadd.s32 s1, s5  }
0xa: {  	s0 =	sadd.s32 s7, s0;
	[dreg:$0x16] =	wrdreg s8  }
0xb: {  	s9 =	sadd.s32 $0x800, s8;
	[dreg:$0x4] =	wrdreg s0  }
0xc: {  	s30 =	simm.s32 $0x8;
	s10 =	sadd.s32 $0x1000, s8;
	[dreg:$0x5] =	wrdreg s9  }
0xd: {  	s28 =	simm.s32 $0x8900;
	s11 =	sadd.s32 $0x1800, s8;
	[dreg:$0x6] =	wrdreg s10  }
0xe: {  	s29 =	simm.s32 $0xA900;
	s12 =	sadd.s32 $0x2000, s8;
	[dreg:$0x7] =	wrdreg s11  }
0xf: {  	s31 =	simm.s32 $0xB100;
	s13 =	sadd.s32 $0x2800, s8;
	[dreg:$0x8] =	wrdreg s12  }
0x10: {  	s18 =	ssub.s32 $0x2, s4;
	s14 =	sadd.s32 $0x3000, s8;
	[dreg:$0x9] =	wrdreg s13  }
0x11: {  	s4 =	sshrl.u32 s18, $0x1;
	s15 =	sadd.s32 $0x3800, s8;
	[dreg:$0xa] =	wrdreg s14  }
0x12: {  	s26 =	simm.s32 $0xA100;
	s16 =	sadd.s32 $0x4000, s8;
	[dreg:$0xb] =	wrdreg s15  }
0x13: {  	s1 =	ssub.s32 s18, s4;
	s17 =	sadd.s32 $0x4800, s8;
	[dreg:$0xc] =	wrdreg s16  }
0x14: {  	s5 =	sadd.s32 $0x100, s2;
	s19 =	sadd.s32 $0x5000, s8;
	[dreg:$0xd] =	wrdreg s17  }
0x15: {  	s4 =	simm.s32 $0x2;
	s20 =	sadd.s32 $0x5800, s8;
	[dreg:$0xe] =	wrdreg s19  }
0x16: {  	s21 =	sadd.s32 $0x6000, s8;
	s22 =	sadd.s32 $0x6800, s8;
	[dreg:$0xf] =	wrdreg s20  }
0x17: {  	s23 =	sadd.s32 $0x7000, s8;
	s24 =	sadd.s32 $0x7800, s8;
	[dreg:$0x10] =	wrdreg s21  }
0x18: {  	s7 =	sadd.s32 $0x300, s2;
	s8 =	smax.u32 s1, $0x1;
	[dreg:$0x11] =	wrdreg s22  }
0x19: {  	v3 =	vlaneseq.u32;
	s10 =	sshll.u32 s6, $0xC;
	s6 =	sadd.s32 $0x200, s2;
	[dreg:$0x12] =	wrdreg s23  }
0x1a: {  	vm0 =	vmmov $0xffff;
	v1 =	vand.u32 $0x7, v3;
	v2 =	vshrl.u32 v3, $0x3;
	[dreg:$0x13] =	wrdreg s24;
	s14 =	simm.s32 $0x1;
	s9 =	simm.s32 $0x9  }
0x1b: {  	v3 =	vor.u32 $0x8, v3;
	v2 =	vmul.u32 $0x8, v2;
	s12 =	simm.s32 $0x100;
	s11 =	simm.s32 $0x4100;
	v0 =	vmov s10;
	s10 =	simm.s32 $0x18100  }
.LBB2_1:
0x1c: {  	s22 =	rddreg [dreg:$0x4]  }
0x1d: {  	s23 =	rddreg [dreg:$0x14]  }
0x1e: {  	s24 =	rddreg [dreg:$0x15];
	s16 =	simm.s32 $0xF  }
0x1f: {  	[tilespmem:s3], [sflag:$0xF] =	stream.strided.gather [hbm4b:s22+s23], $0x100, s24, s23, $0x38;
	[tilespmem:$0x1C100] =	vst v63  }
0x20: {  	_ =	swait.ge [sflag:s16], $0x100  }
0x21: {  	[sflag:s16] =	ssyncset.done $0x0  }
0x22: {  	[sflag:s16] =	ssyncadd.s32 $0xFFFFFF00  }
0x23: {  	v4 =	vld [tilespmem:$0x0];
	_ =	sdelay $0x4  }
0x24: {  	vm1 =	vgt.s32 v4, $0x0  }
0x25: {  	v4 =	vnsel vm1, $0x0, v4  }
0x26: {  	v5 =	vadd.s32 v0, v4  }
0x27: {  	v5 =	vshll.u32 v5, $0x3  }
0x28: {  	v4 =	vand.u32 $0x7, v4;
	v5 =	vand.u32 $0xFFFFFFC0, v5  }
0x29: {  	v4 =	vor.u32 v4, v5  }
0x2a: {  	v5 =	vperm.xlane v4, v1;
	_ =	sdelay $0x1  }
0x2b: {  	v5 =	vadd.s32 v2, v5;
	_ =	sdelay $0x4  }
0x2c: {  	[tilespmem:s12], [sflag:$0x1] =	stream.indirect_vreg.gather [hbm4b:s2+s3], $0x80, v5, vm0, $0xb8;
	[tilespmem:$0x1C100] =	vst v63  }
0x2d: {  	s0 =	simm.s32 $0x900;
	v4 =	vperm.xlane v4, v3  }
0x2e: {  	[tilespmem:s0], [sflag:$0x1] =	stream.indirect_vreg.gather [hbm4b:s5+s3], $0x80, v5, vm0, $0xb8;
	[tilespmem:$0x1C100] =	vst v63  }
0x2f: {  	s17 =	simm.s32 $0x1100;
	v4 =	vadd.s32 v2, v4  }
0x30: {  	[tilespmem:s17], [sflag:$0x1] =	stream.indirect_vreg.gather [hbm4b:s6+s3], $0x80, v5, vm0, $0xb8;
	[tilespmem:$0x1C100] =	vst v63  }
0x31: {  	s18 =	simm.s32 $0x1900  }
0x32: {  	[tilespmem:s18], [sflag:$0x1] =	stream.indirect_vreg.gather [hbm4b:s7+s3], $0x80, v5, vm0, $0xb8;
	[tilespmem:$0x1C100] =	vst v63  }
0x33: {  	s19 =	simm.s32 $0x2100  }
0x34: {  	[tilespmem:s19], [sflag:$0x1] =	stream.indirect_vreg.gather [hbm4b:s2+s3], $0x80, v4, vm0, $0xb8;
	[tilespmem:$0x1C100] =	vst v63  }
0x35: {  	s20 =	simm.s32 $0x2900  }
0x36: {  	[tilespmem:s20], [sflag:$0x1] =	stream.indirect_vreg.gather [hbm4b:s5+s3], $0x80, v4, vm0, $0xb8;
	[tilespmem:$0x1C100] =	vst v63  }
0x37: {  	s21 =	simm.s32 $0x3100  }
0x38: {  	[tilespmem:s21], [sflag:$0x1] =	stream.indirect_vreg.gather [hbm4b:s6+s3], $0x80, v4, vm0, $0xb8;
	[tilespmem:$0x1C100] =	vst v63  }
0x39: {  	s22 =	simm.s32 $0x3900  }
0x3a: {  	[tilespmem:s22], [sflag:$0x1] =	stream.indirect_vreg.gather [hbm4b:s7+s3], $0x80, v4, vm0, $0xb8;
	[tilespmem:$0x1C100] =	vst v63  }
0x3b: {  	v4 =	vld [tilespmem:$0x10];
	_ =	sdelay $0x4  }
0x3c: {  	vm1 =	vgt.s32 v4, $0x0  }
0x3d: {  	v4 =	vnsel vm1, $0x0, v4  }
0x3e: {  	v5 =	vadd.s32 v0, v4  }
0x3f: {  	v5 =	vshll.u32 v5, $0x3  }
0x40: {  	v4 =	vand.u32 $0x7, v4;
	v5 =	vand.u32 $0xFFFFFFC0, v5  }
0x41: {  	v4 =	vor.u32 v4, v5  }
0x42: {  	v5 =	vperm.xlane v4, v1;
	_ =	sdelay $0x1  }
0x43: {  	v5 =	vadd.s32 v2, v5;
	_ =	sdelay $0x4  }
0x44: {  	[tilespmem:s11], [sflag:$0x2] =	stream.indirect_vreg.gather [hbm4b:s2+s3], $0x80, v5, vm0, $0xb8;
	[tilespmem:$0x1C100] =	vst v63  }
0x45: {  	s23 =	simm.s32 $0x4900;
	v4 =	vperm.xlane v4, v3  }
0x46: {  	[tilespmem:s23], [sflag:$0x2] =	stream.indirect_vreg.gather [hbm4b:s5+s3], $0x80, v5, vm0, $0xb8;
	[tilespmem:$0x1C100] =	vst v63  }
0x47: {  	s24 =	simm.s32 $0x5100;
	v4 =	vadd.s32 v2, v4  }
0x48: {  	[tilespmem:s24], [sflag:$0x2] =	stream.indirect_vreg.gather [hbm4b:s6+s3], $0x80, v5, vm0, $0xb8;
	[tilespmem:$0x1C100] =	vst v63  }
0x49: {  	s25 =	simm.s32 $0x5900  }
0x4a: {  	[tilespmem:s25], [sflag:$0x2] =	stream.indirect_vreg.gather [hbm4b:s7+s3], $0x80, v5, vm0, $0xb8;
	[tilespmem:$0x1C100] =	vst v63  }
0x4b: {  	s13 =	simm.s32 $0x6100  }
0x4c: {  	[tilespmem:s13], [sflag:$0x2] =	stream.indirect_vreg.gather [hbm4b:s2+s3], $0x80, v4, vm0, $0xb8;
	[tilespmem:$0x1C100] =	vst v63  }
0x4d: {  	s16 =	simm.s32 $0x6900  }
0x4e: {  	[tilespmem:s16], [sflag:$0x2] =	stream.indirect_vreg.gather [hbm4b:s5+s3], $0x80, v4, vm0, $0xb8;
	[tilespmem:$0x1C100] =	vst v63  }
0x4f: {  	s17 =	simm.s32 $0x7100  }
0x50: {  	[tilespmem:s17], [sflag:$0x2] =	stream.indirect_vreg.gather [hbm4b:s6+s3], $0x80, v4, vm0, $0xb8;
	[tilespmem:$0x1C100] =	vst v63  }
0x51: {  	s18 =	simm.s32 $0x7900  }
0x52: {  	[tilespmem:s18], [sflag:$0x2] =	stream.indirect_vreg.gather [hbm4b:s7+s3], $0x80, v4, vm0, $0xb8;
	[tilespmem:$0x1C100] =	vst v63  }
0x53: {  	v4 =	vld [tilespmem:$0x20];
	_ =	sdelay $0x4  }
0x54: {  	vm1 =	vgt.s32 v4, $0x0  }
0x55: {  	v4 =	vnsel vm1, $0x0, v4  }
0x56: {  	v5 =	vadd.s32 v0, v4  }
0x57: {  	v5 =	vshll.u32 v5, $0x3  }
0x58: {  	v4 =	vand.u32 $0x7, v4;
	v5 =	vand.u32 $0xFFFFFFC0, v5  }
0x59: {  	v4 =	vor.u32 v4, v5  }
0x5a: {  	v5 =	vperm.xlane v4, v1;
	_ =	sdelay $0x1  }
0x5b: {  	v5 =	vadd.s32 v2, v5;
	_ =	sdelay $0x3  }
0x5c: {  	s19 =	simm.s32 $0x8100  }
0x5d: {  	[tilespmem:s19], [sflag:$0x3] =	stream.indirect_vreg.gather [hbm4b:s2+s3], $0x80, v5, vm0, $0xb8;
	[tilespmem:$0x1C100] =	vst v63  }
0x5e: {  	v4 =	vperm.xlane v4, v3  }
0x5f: {  	[tilespmem:s28], [sflag:$0x3] =	stream.indirect_vreg.gather [hbm4b:s5+s3], $0x80, v5, vm0, $0xb8;
	[tilespmem:$0x1C100] =	vst v63  }
0x60: {  	s18 =	simm.s32 $0x9100;
	v4 =	vadd.s32 v2, v4  }
0x61: {  	[tilespmem:s18], [sflag:$0x3] =	stream.indirect_vreg.gather [hbm4b:s6+s3], $0x80, v5, vm0, $0xb8;
	[tilespmem:$0x1C100] =	vst v63  }
0x62: {  	s25 =	simm.s32 $0x9900  }
0x63: {  	[tilespmem:s25], [sflag:$0x3] =	stream.indirect_vreg.gather [hbm4b:s7+s3], $0x80, v5, vm0, $0xb8;
	[tilespmem:$0x1C100] =	vst v63  }
0x64: {  	_ = 	snop  }
0x65: {  	[tilespmem:s26], [sflag:$0x3] =	stream.indirect_vreg.gather [hbm4b:s2+s3], $0x80, v4, vm0, $0xb8;
	[tilespmem:$0x1C100] =	vst v63  }
0x66: {  	_ = 	snop  }
0x67: {  	[tilespmem:s29], [sflag:$0x3] =	stream.indirect_vreg.gather [hbm4b:s5+s3], $0x80, v4, vm0, $0xb8;
	[tilespmem:$0x1C100] =	vst v63  }
0x68: {  	_ = 	snop  }
0x69: {  	[tilespmem:s31], [sflag:$0x3] =	stream.indirect_vreg.gather [hbm4b:s6+s3], $0x80, v4, vm0, $0xb8;
	[tilespmem:$0x1C100] =	vst v63  }
0x6a: {  	s13 =	simm.s32 $0xB900  }
0x6b: {  	[tilespmem:s13], [sflag:$0x3] =	stream.indirect_vreg.gather [hbm4b:s7+s3], $0x80, v4, vm0, $0xb8;
	[tilespmem:$0x1C100] =	vst v63  }
0x6c: {  	v4 =	vld [tilespmem:$0x30];
	_ =	sdelay $0x4  }
0x6d: {  	vm1 =	vgt.s32 v4, $0x0  }
0x6e: {  	v4 =	vnsel vm1, $0x0, v4  }
0x6f: {  	v5 =	vadd.s32 v0, v4  }
0x70: {  	v5 =	vshll.u32 v5, $0x3  }
0x71: {  	v4 =	vand.u32 $0x7, v4;
	v5 =	vand.u32 $0xFFFFFFC0, v5  }
0x72: {  	v4 =	vor.u32 v4, v5  }
0x73: {  	v5 =	vperm.xlane v4, v1;
	_ =	sdelay $0x1  }
0x74: {  	v5 =	vadd.s32 v2, v5;
	_ =	sdelay $0x3  }
0x75: {  	s20 =	simm.s32 $0xC100  }
0x76: {  	[tilespmem:s20], [sflag:$0x4] =	stream.indirect_vreg.gather [hbm4b:s2+s3], $0x80, v5, vm0, $0xb8;
	[tilespmem:$0x1C100] =	vst v63  }
0x77: {  	s23 =	simm.s32 $0xC900;
	v4 =	vperm.xlane v4, v3  }
0x78: {  	[tilespmem:s23], [sflag:$0x4] =	stream.indirect_vreg.gather [hbm4b:s5+s3], $0x80, v5, vm0, $0xb8;
	[tilespmem:$0x1C100] =	vst v63  }
0x79: {  	s21 =	simm.s32 $0xD100;
	v4 =	vadd.s32 v2, v4  }
0x7a: {  	[tilespmem:s21], [sflag:$0x4] =	stream.indirect_vreg.gather [hbm4b:s6+s3], $0x80, v5, vm0, $0xb8;
	[tilespmem:$0x1C100] =	vst v63  }
0x7b: {  	s16 =	simm.s32 $0xD900  }
0x7c: {  	[tilespmem:s16], [sflag:$0x4] =	stream.indirect_vreg.gather [hbm4b:s7+s3], $0x80, v5, vm0, $0xb8;
	[tilespmem:$0x1C100] =	vst v63  }
0x7d: {  	s17 =	simm.s32 $0xE100  }
0x7e: {  	[tilespmem:s17], [sflag:$0x4] =	stream.indirect_vreg.gather [hbm4b:s2+s3], $0x80, v4, vm0, $0xb8;
	[tilespmem:$0x1C100] =	vst v63  }
0x7f: {  	s19 =	simm.s32 $0xE900  }
0x80: {  	[tilespmem:s19], [sflag:$0x4] =	stream.indirect_vreg.gather [hbm4b:s5+s3], $0x80, v4, vm0, $0xb8;
	[tilespmem:$0x1C100] =	vst v63  }
0x81: {  	s20 =	simm.s32 $0xF100  }
0x82: {  	[tilespmem:s20], [sflag:$0x4] =	stream.indirect_vreg.gather [hbm4b:s6+s3], $0x80, v4, vm0, $0xb8;
	[tilespmem:$0x1C100] =	vst v63  }
0x83: {  	s21 =	simm.s32 $0xF900  }
0x84: {  	[tilespmem:s21], [sflag:$0x4] =	stream.indirect_vreg.gather [hbm4b:s7+s3], $0x80, v4, vm0, $0xb8;
	[tilespmem:$0x1C100] =	vst v63  }
0x85: {  	v4 =	vld [tilespmem:$0x40];
	_ =	sdelay $0x4  }
0x86: {  	vm1 =	vgt.s32 v4, $0x0  }
0x87: {  	v4 =	vnsel vm1, $0x0, v4  }
0x88: {  	v5 =	vadd.s32 v0, v4  }
0x89: {  	v5 =	vshll.u32 v5, $0x3  }
0x8a: {  	v4 =	vand.u32 $0x7, v4;
	v5 =	vand.u32 $0xFFFFFFC0, v5  }
0x8b: {  	v4 =	vor.u32 v4, v5  }
0x8c: {  	v5 =	vperm.xlane v4, v1;
	_ =	sdelay $0x1  }
0x8d: {  	v5 =	vadd.s32 v2, v5;
	_ =	sdelay $0x3  }
0x8e: {  	s22 =	simm.s32 $0x10100  }
0x8f: {  	[tilespmem:s22], [sflag:$0x5] =	stream.indirect_vreg.gather [hbm4b:s2+s3], $0x80, v5, vm0, $0xb8;
	[tilespmem:$0x1C100] =	vst v63  }
0x90: {  	s24 =	simm.s32 $0x10900;
	v4 =	vperm.xlane v4, v3  }
0x91: {  	[tilespmem:s24], [sflag:$0x5] =	stream.indirect_vreg.gather [hbm4b:s5+s3], $0x80, v5, vm0, $0xb8;
	[tilespmem:$0x1C100] =	vst v63  }
0x92: {  	v4 =	vadd.s32 v2, v4;
	s22 =	simm.s32 $0x11100  }
0x93: {  	[tilespmem:s22], [sflag:$0x5] =	stream.indirect_vreg.gather [hbm4b:s6+s3], $0x80, v5, vm0, $0xb8;
	[tilespmem:$0x1C100] =	vst v63  }
0x94: {  	s24 =	simm.s32 $0x11900  }
0x95: {  	[tilespmem:s24], [sflag:$0x5] =	stream.indirect_vreg.gather [hbm4b:s7+s3], $0x80, v5, vm0, $0xb8;
	[tilespmem:$0x1C100] =	vst v63  }
0x96: {  	s22 =	simm.s32 $0x12100  }
0x97: {  	[tilespmem:s22], [sflag:$0x5] =	stream.indirect_vreg.gather [hbm4b:s2+s3], $0x80, v4, vm0, $0xb8;
	[tilespmem:$0x1C100] =	vst v63  }
0x98: {  	s24 =	simm.s32 $0x12900  }
0x99: {  	[tilespmem:s24], [sflag:$0x5] =	stream.indirect_vreg.gather [hbm4b:s5+s3], $0x80, v4, vm0, $0xb8;
	[tilespmem:$0x1C100] =	vst v63  }
0x9a: {  	s22 =	simm.s32 $0x13100  }
0x9b: {  	[tilespmem:s22], [sflag:$0x5] =	stream.indirect_vreg.gather [hbm4b:s6+s3], $0x80, v4, vm0, $0xb8;
	[tilespmem:$0x1C100] =	vst v63  }
0x9c: {  	s24 =	simm.s32 $0x13900  }
0x9d: {  	[tilespmem:s24], [sflag:$0x5] =	stream.indirect_vreg.gather [hbm4b:s7+s3], $0x80, v4, vm0, $0xb8;
	[tilespmem:$0x1C100] =	vst v63  }
0x9e: {  	v4 =	vld [tilespmem:$0x50];
	_ =	sdelay $0x4  }
0x9f: {  	vm1 =	vgt.s32 v4, $0x0  }
0xa0: {  	v4 =	vnsel vm1, $0x0, v4  }
0xa1: {  	v5 =	vadd.s32 v0, v4  }
0xa2: {  	v5 =	vshll.u32 v5, $0x3  }
0xa3: {  	v4 =	vand.u32 $0x7, v4;
	v5 =	vand.u32 $0xFFFFFFC0, v5  }
0xa4: {  	v4 =	vor.u32 v4, v5  }
0xa5: {  	v5 =	vperm.xlane v4, v1;
	_ =	sdelay $0x1  }
0xa6: {  	v5 =	vadd.s32 v2, v5;
	_ =	sdelay $0x3  }
0xa7: {  	s24 =	simm.s32 $0x14100  }
0xa8: {  	[tilespmem:s24], [sflag:$0x6] =	stream.indirect_vreg.gather [hbm4b:s2+s3], $0x80, v5, vm0, $0xb8;
	[tilespmem:$0x1C100] =	vst v63  }
0xa9: {  	s22 =	simm.s32 $0x14900;
	v4 =	vperm.xlane v4, v3  }
0xaa: {  	[tilespmem:s22], [sflag:$0x6] =	stream.indirect_vreg.gather [hbm4b:s5+s3], $0x80, v5, vm0, $0xb8;
	[tilespmem:$0x1C100] =	vst v63  }
0xab: {  	v4 =	vadd.s32 v2, v4;
	s22 =	simm.s32 $0x15100  }
0xac: {  	[tilespmem:s22], [sflag:$0x6] =	stream.indirect_vreg.gather [hbm4b:s6+s3], $0x80, v5, vm0, $0xb8;
	[tilespmem:$0x1C100] =	vst v63  }
0xad: {  	s22 =	simm.s32 $0x15900  }
0xae: {  	[tilespmem:s22], [sflag:$0x6] =	stream.indirect_vreg.gather [hbm4b:s7+s3], $0x80, v5, vm0, $0xb8;
	[tilespmem:$0x1C100] =	vst v63  }
0xaf: {  	s22 =	simm.s32 $0x16100  }
0xb0: {  	[tilespmem:s22], [sflag:$0x6] =	stream.indirect_vreg.gather [hbm4b:s2+s3], $0x80, v4, vm0, $0xb8;
	[tilespmem:$0x1C100] =	vst v63  }
0xb1: {  	s22 =	simm.s32 $0x16900  }
0xb2: {  	[tilespmem:s22], [sflag:$0x6] =	stream.indirect_vreg.gather [hbm4b:s5+s3], $0x80, v4, vm0, $0xb8;
	[tilespmem:$0x1C100] =	vst v63  }
0xb3: {  	s22 =	simm.s32 $0x17100  }
0xb4: {  	[tilespmem:s22], [sflag:$0x6] =	stream.indirect_vreg.gather [hbm4b:s6+s3], $0x80, v4, vm0, $0xb8;
	[tilespmem:$0x1C100] =	vst v63  }
0xb5: {  	s22 =	simm.s32 $0x17900  }
0xb6: {  	[tilespmem:s22], [sflag:$0x6] =	stream.indirect_vreg.gather [hbm4b:s7+s3], $0x80, v4, vm0, $0xb8;
	[tilespmem:$0x1C100] =	vst v63  }
0xb7: {  	v4 =	vld [tilespmem:$0x60];
	_ =	sdelay $0x4  }
0xb8: {  	vm1 =	vgt.s32 v4, $0x0  }
0xb9: {  	v4 =	vnsel vm1, $0x0, v4  }
0xba: {  	v5 =	vadd.s32 v0, v4  }
0xbb: {  	v5 =	vshll.u32 v5, $0x3  }
0xbc: {  	v4 =	vand.u32 $0x7, v4;
	v5 =	vand.u32 $0xFFFFFFC0, v5  }
0xbd: {  	v4 =	vor.u32 v4, v5  }
0xbe: {  	v5 =	vperm.xlane v4, v1;
	_ =	sdelay $0x1  }
0xbf: {  	v5 =	vadd.s32 v2, v5;
	_ =	sdelay $0x4  }
0xc0: {  	[tilespmem:s10], [sflag:$0x7] =	stream.indirect_vreg.gather [hbm4b:s2+s3], $0x80, v5, vm0, $0xb8;
	[tilespmem:$0x1C100] =	vst v63  }
0xc1: {  	s22 =	simm.s32 $0x18900;
	v4 =	vperm.xlane v4, v3  }
0xc2: {  	[tilespmem:s22], [sflag:$0x7] =	stream.indirect_vreg.gather [hbm4b:s5+s3], $0x80, v5, vm0, $0xb8;
	[tilespmem:$0x1C100] =	vst v63  }
0xc3: {  	v4 =	vadd.s32 v2, v4;
	s22 =	simm.s32 $0x19100  }
0xc4: {  	[tilespmem:s22], [sflag:$0x7] =	stream.indirect_vreg.gather [hbm4b:s6+s3], $0x80, v5, vm0, $0xb8;
	[tilespmem:$0x1C100] =	vst v63  }
0xc5: {  	s22 =	simm.s32 $0x19900  }
0xc6: {  	[tilespmem:s22], [sflag:$0x7] =	stream.indirect_vreg.gather [hbm4b:s7+s3], $0x80, v5, vm0, $0xb8;
	[tilespmem:$0x1C100] =	vst v63  }
0xc7: {  	s22 =	simm.s32 $0x1A100  }
0xc8: {  	[tilespmem:s22], [sflag:$0x7] =	stream.indirect_vreg.gather [hbm4b:s2+s3], $0x80, v4, vm0, $0xb8;
	[tilespmem:$0x1C100] =	vst v63  }
0xc9: {  	s22 =	simm.s32 $0x1A900  }
0xca: {  	[tilespmem:s22], [sflag:$0x7] =	stream.indirect_vreg.gather [hbm4b:s5+s3], $0x80, v4, vm0, $0xb8;
	[tilespmem:$0x1C100] =	vst v63  }
0xcb: {  	s22 =	simm.s32 $0x1B100  }
0xcc: {  	[tilespmem:s22], [sflag:$0x7] =	stream.indirect_vreg.gather [hbm4b:s6+s3], $0x80, v4, vm0, $0xb8;
	[tilespmem:$0x1C100] =	vst v63  }
0xcd: {  	s22 =	simm.s32 $0x1B900  }
0xce: {  	[tilespmem:s22], [sflag:$0x7] =	stream.indirect_vreg.gather [hbm4b:s7+s3], $0x80, v4, vm0, $0xb8;
	[tilespmem:$0x1C100] =	vst v63  }
0xcf: {  	_ =	swait.ge [sflag:s14], $0x4000  }
0xd0: {  	[sflag:s14] =	ssyncset.done $0x0  }
0xd1: {  	s0 =	rddreg [dreg:$0x16];
	[sflag:s14] =	ssyncadd.s32 $0xFFFFC000  }
0xd2: {  	[hbm4b:s0+s3] =	stream.linear.scatter [tilespmem:s12], [sflag:$0x8], $0x4000, $0x38;
	[tilespmem:$0x1C100] =	vst v63  }
0xd3: {  	_ =	swait.ge [sflag:s30], $0x4000  }
0xd4: {  	[sflag:s30] =	ssyncset.done $0x0  }
0xd5: {  	[sflag:s30] =	ssyncadd.s32 $0xFFFFC000  }
0xd6: {  	v4 =	vld [tilespmem:$0x70];
	_ =	sdelay $0x4  }
0xd7: {  	vm1 =	vgt.s32 v4, $0x0  }
0xd8: {  	v4 =	vnsel vm1, $0x0, v4  }
0xd9: {  	v5 =	vadd.s32 v0, v4  }
0xda: {  	v5 =	vshll.u32 v5, $0x3  }
0xdb: {  	v4 =	vand.u32 $0x7, v4;
	v5 =	vand.u32 $0xFFFFFFC0, v5  }
0xdc: {  	v4 =	vor.u32 v4, v5  }
0xdd: {  	v5 =	vperm.xlane v4, v1;
	_ =	sdelay $0x1  }
0xde: {  	v5 =	vadd.s32 v2, v5;
	_ =	sdelay $0x4  }
0xdf: {  	[tilespmem:s12], [sflag:$0x1] =	stream.indirect_vreg.gather [hbm4b:s2+s3], $0x80, v5, vm0, $0xb8;
	[tilespmem:$0x1C100] =	vst v63  }
0xe0: {  	s1 =	simm.s32 $0x900;
	v4 =	vperm.xlane v4, v3  }
0xe1: {  	[tilespmem:s1], [sflag:$0x1] =	stream.indirect_vreg.gather [hbm4b:s5+s3], $0x80, v5, vm0, $0xb8;
	[tilespmem:$0x1C100] =	vst v63  }
0xe2: {  	v4 =	vadd.s32 v2, v4;
	s1 =	simm.s32 $0x1100  }
0xe3: {  	[tilespmem:s1], [sflag:$0x1] =	stream.indirect_vreg.gather [hbm4b:s6+s3], $0x80, v5, vm0, $0xb8;
	[tilespmem:$0x1C100] =	vst v63  }
0xe4: {  	s22 =	simm.s32 $0x1900  }
0xe5: {  	[tilespmem:s22], [sflag:$0x1] =	stream.indirect_vreg.gather [hbm4b:s7+s3], $0x80, v5, vm0, $0xb8;
	[tilespmem:$0x1C100] =	vst v63  }
0xe6: {  	s1 =	simm.s32 $0x2100  }
0xe7: {  	[tilespmem:s1], [sflag:$0x1] =	stream.indirect_vreg.gather [hbm4b:s2+s3], $0x80, v4, vm0, $0xb8;
	[tilespmem:$0x1C100] =	vst v63  }
0xe8: {  	s22 =	simm.s32 $0x2900  }
0xe9: {  	[tilespmem:s22], [sflag:$0x1] =	stream.indirect_vreg.gather [hbm4b:s5+s3], $0x80, v4, vm0, $0xb8;
	[tilespmem:$0x1C100] =	vst v63  }
0xea: {  	s1 =	simm.s32 $0x3100  }
0xeb: {  	[tilespmem:s1], [sflag:$0x1] =	stream.indirect_vreg.gather [hbm4b:s6+s3], $0x80, v4, vm0, $0xb8;
	[tilespmem:$0x1C100] =	vst v63  }
0xec: {  	s15 =	simm.s32 $0x3900  }
0xed: {  	[tilespmem:s15], [sflag:$0x1] =	stream.indirect_vreg.gather [hbm4b:s7+s3], $0x80, v4, vm0, $0xb8;
	[tilespmem:$0x1C100] =	vst v63  }
0xee: {  	_ =	swait.ge [sflag:s4], $0x4000  }
0xef: {  	[sflag:s4] =	ssyncset.done $0x0  }
0xf0: {  	s15 =	rddreg [dreg:$0x5];
	[sflag:s4] =	ssyncadd.s32 $0xFFFFC000  }
0xf1: {  	[hbm4b:s15+s3] =	stream.linear.scatter [tilespmem:s11], [sflag:$0x9], $0x4000, $0x38;
	[tilespmem:$0x1C100] =	vst v63  }
0xf2: {  	_ =	swait.ge [sflag:s9], $0x4000  }
0xf3: {  	[sflag:s9] =	ssyncset.done $0x0  }
0xf4: {  	[sflag:s9] =	ssyncadd.s32 $0xFFFFC000  }
0xf5: {  	v4 =	vld [tilespmem:$0x80];
	_ =	sdelay $0x4  }
0xf6: {  	vm1 =	vgt.s32 v4, $0x0  }
0xf7: {  	v4 =	vnsel vm1, $0x0, v4  }
0xf8: {  	v5 =	vadd.s32 v0, v4  }
0xf9: {  	v5 =	vshll.u32 v5, $0x3  }
0xfa: {  	v4 =	vand.u32 $0x7, v4;
	v5 =	vand.u32 $0xFFFFFFC0, v5  }
0xfb: {  	v4 =	vor.u32 v4, v5  }
0xfc: {  	v5 =	vperm.xlane v4, v1;
	_ =	sdelay $0x1  }
0xfd: {  	v5 =	vadd.s32 v2, v5;
	_ =	sdelay $0x4  }
0xfe: {  	[tilespmem:s11], [sflag:$0x2] =	stream.indirect_vreg.gather [hbm4b:s2+s3], $0x80, v5, vm0, $0xb8;
	[tilespmem:$0x1C100] =	vst v63  }
0xff: {  	s22 =	simm.s32 $0x4900;
	v4 =	vperm.xlane v4, v3  }
0x100: {  	[tilespmem:s22], [sflag:$0x2] =	stream.indirect_vreg.gather [hbm4b:s5+s3], $0x80, v5, vm0, $0xb8;
	[tilespmem:$0x1C100] =	vst v63  }
0x101: {  	s1 =	simm.s32 $0x5100;
	v4 =	vadd.s32 v2, v4  }
0x102: {  	[tilespmem:s1], [sflag:$0x2] =	stream.indirect_vreg.gather [hbm4b:s6+s3], $0x80, v5, vm0, $0xb8;
	[tilespmem:$0x1C100] =	vst v63  }
0x103: {  	s15 =	simm.s32 $0x5900  }
0x104: {  	[tilespmem:s15], [sflag:$0x2] =	stream.indirect_vreg.gather [hbm4b:s7+s3], $0x80, v5, vm0, $0xb8;
	[tilespmem:$0x1C100] =	vst v63  }
0x105: {  	s22 =	simm.s32 $0x6100  }
0x106: {  	[tilespmem:s22], [sflag:$0x2] =	stream.indirect_vreg.gather [hbm4b:s2+s3], $0x80, v4, vm0, $0xb8;
	[tilespmem:$0x1C100] =	vst v63  }
0x107: {  	s1 =	simm.s32 $0x6900  }
0x108: {  	[tilespmem:s1], [sflag:$0x2] =	stream.indirect_vreg.gather [hbm4b:s5+s3], $0x80, v4, vm0, $0xb8;
	[tilespmem:$0x1C100] =	vst v63  }
0x109: {  	s15 =	simm.s32 $0x7100  }
0x10a: {  	[tilespmem:s15], [sflag:$0x2] =	stream.indirect_vreg.gather [hbm4b:s6+s3], $0x80, v4, vm0, $0xb8;
	[tilespmem:$0x1C100] =	vst v63  }
0x10b: {  	s0 =	simm.s32 $0x3;
	s22 =	simm.s32 $0x7900  }
0x10c: {  	[tilespmem:s22], [sflag:$0x2] =	stream.indirect_vreg.gather [hbm4b:s7+s3], $0x80, v4, vm0, $0xb8;
	[tilespmem:$0x1C100] =	vst v63  }
0x10d: {  	_ =	swait.ge [sflag:s0], $0x4000  }
0x10e: {  	[sflag:s0] =	ssyncset.done $0x0  }
0x10f: {  	s15 =	simm.s32 $0x8100;
	s1 =	rddreg [dreg:$0x6];
	[sflag:s0] =	ssyncadd.s32 $0xFFFFC000  }
0x110: {  	[hbm4b:s1+s3] =	stream.linear.scatter [tilespmem:s15], [sflag:$0xA], $0x4000, $0x38;
	[tilespmem:$0x1C100] =	vst v63  }
0x111: {  	s1 =	simm.s32 $0xA  }
0x112: {  	_ =	swait.ge [sflag:s1], $0x4000  }
0x113: {  	[sflag:s1] =	ssyncset.done $0x0  }
0x114: {  	[sflag:s1] =	ssyncadd.s32 $0xFFFFC000  }
0x115: {  	v4 =	vld [tilespmem:$0x90];
	_ =	sdelay $0x4  }
0x116: {  	vm1 =	vgt.s32 v4, $0x0  }
0x117: {  	v4 =	vnsel vm1, $0x0, v4  }
0x118: {  	v5 =	vadd.s32 v0, v4  }
0x119: {  	v5 =	vshll.u32 v5, $0x3  }
0x11a: {  	v4 =	vand.u32 $0x7, v4;
	v5 =	vand.u32 $0xFFFFFFC0, v5  }
0x11b: {  	v4 =	vor.u32 v4, v5  }
0x11c: {  	v5 =	vperm.xlane v4, v1;
	_ =	sdelay $0x1  }
0x11d: {  	v5 =	vadd.s32 v2, v5;
	_ =	sdelay $0x4  }
0x11e: {  	[tilespmem:s15], [sflag:$0x3] =	stream.indirect_vreg.gather [hbm4b:s2+s3], $0x80, v5, vm0, $0xb8;
	[tilespmem:$0x1C100] =	vst v63  }
0x11f: {  	v4 =	vperm.xlane v4, v3  }
0x120: {  	[tilespmem:s28], [sflag:$0x3] =	stream.indirect_vreg.gather [hbm4b:s5+s3], $0x80, v5, vm0, $0xb8;
	[tilespmem:$0x1C100] =	vst v63  }
0x121: {  	v4 =	vadd.s32 v2, v4  }
0x122: {  	[tilespmem:s18], [sflag:$0x3] =	stream.indirect_vreg.gather [hbm4b:s6+s3], $0x80, v5, vm0, $0xb8;
	[tilespmem:$0x1C100] =	vst v63  }
0x123: {  	_ = 	snop  }
0x124: {  	[tilespmem:s25], [sflag:$0x3] =	stream.indirect_vreg.gather [hbm4b:s7+s3], $0x80, v5, vm0, $0xb8;
	[tilespmem:$0x1C100] =	vst v63  }
0x125: {  	_ = 	snop  }
0x126: {  	[tilespmem:s26], [sflag:$0x3] =	stream.indirect_vreg.gather [hbm4b:s2+s3], $0x80, v4, vm0, $0xb8;
	[tilespmem:$0x1C100] =	vst v63  }
0x127: {  	_ = 	snop  }
0x128: {  	[tilespmem:s29], [sflag:$0x3] =	stream.indirect_vreg.gather [hbm4b:s5+s3], $0x80, v4, vm0, $0xb8;
	[tilespmem:$0x1C100] =	vst v63  }
0x129: {  	_ = 	snop  }
0x12a: {  	[tilespmem:s31], [sflag:$0x3] =	stream.indirect_vreg.gather [hbm4b:s6+s3], $0x80, v4, vm0, $0xb8;
	[tilespmem:$0x1C100] =	vst v63  }
0x12b: {  	_ = 	snop  }
0x12c: {  	[tilespmem:s13], [sflag:$0x3] =	stream.indirect_vreg.gather [hbm4b:s7+s3], $0x80, v4, vm0, $0xb8;
	[tilespmem:$0x1C100] =	vst v63  }
0x12d: {  	s13 =	simm.s32 $0x4  }
0x12e: {  	_ =	swait.ge [sflag:s13], $0x4000  }
0x12f: {  	[sflag:s13] =	ssyncset.done $0x0  }
0x130: {  	s25 =	simm.s32 $0xC100;
	s18 =	rddreg [dreg:$0x7];
	[sflag:s13] =	ssyncadd.s32 $0xFFFFC000  }
0x131: {  	[hbm4b:s18+s3] =	stream.linear.scatter [tilespmem:s25], [sflag:$0xB], $0x4000, $0x38;
	[tilespmem:$0x1C100] =	vst v63  }
0x132: {  	s18 =	simm.s32 $0xB  }
0x133: {  	_ =	swait.ge [sflag:s18], $0x4000  }
0x134: {  	[sflag:s18] =	ssyncset.done $0x0  }
0x135: {  	[sflag:s18] =	ssyncadd.s32 $0xFFFFC000  }
0x136: {  	v4 =	vld [tilespmem:$0xA0];
	_ =	sdelay $0x4  }
0x137: {  	vm1 =	vgt.s32 v4, $0x0  }
0x138: {  	v4 =	vnsel vm1, $0x0, v4  }
0x139: {  	v5 =	vadd.s32 v0, v4  }
0x13a: {  	v5 =	vshll.u32 v5, $0x3  }
0x13b: {  	v4 =	vand.u32 $0x7, v4;
	v5 =	vand.u32 $0xFFFFFFC0, v5  }
0x13c: {  	v4 =	vor.u32 v4, v5  }
0x13d: {  	v5 =	vperm.xlane v4, v1;
	_ =	sdelay $0x1  }
0x13e: {  	v5 =	vadd.s32 v2, v5;
	_ =	sdelay $0x4  }
0x13f: {  	[tilespmem:s25], [sflag:$0x4] =	stream.indirect_vreg.gather [hbm4b:s2+s3], $0x80, v5, vm0, $0xb8;
	[tilespmem:$0x1C100] =	vst v63  }
0x140: {  	v4 =	vperm.xlane v4, v3  }
0x141: {  	[tilespmem:s23], [sflag:$0x4] =	stream.indirect_vreg.gather [hbm4b:s5+s3], $0x80, v5, vm0, $0xb8;
	[tilespmem:$0x1C100] =	vst v63  }
0x142: {  	v4 =	vadd.s32 v2, v4;
	s25 =	simm.s32 $0xD100  }
0x143: {  	[tilespmem:s25], [sflag:$0x4] =	stream.indirect_vreg.gather [hbm4b:s6+s3], $0x80, v5, vm0, $0xb8;
	[tilespmem:$0x1C100] =	vst v63  }
0x144: {  	_ = 	snop  }
0x145: {  	[tilespmem:s16], [sflag:$0x4] =	stream.indirect_vreg.gather [hbm4b:s7+s3], $0x80, v5, vm0, $0xb8;
	[tilespmem:$0x1C100] =	vst v63  }
0x146: {  	_ = 	snop  }
0x147: {  	[tilespmem:s17], [sflag:$0x4] =	stream.indirect_vreg.gather [hbm4b:s2+s3], $0x80, v4, vm0, $0xb8;
	[tilespmem:$0x1C100] =	vst v63  }
0x148: {  	_ = 	snop  }
0x149: {  	[tilespmem:s19], [sflag:$0x4] =	stream.indirect_vreg.gather [hbm4b:s5+s3], $0x80, v4, vm0, $0xb8;
	[tilespmem:$0x1C100] =	vst v63  }
0x14a: {  	_ = 	snop  }
0x14b: {  	[tilespmem:s20], [sflag:$0x4] =	stream.indirect_vreg.gather [hbm4b:s6+s3], $0x80, v4, vm0, $0xb8;
	[tilespmem:$0x1C100] =	vst v63  }
0x14c: {  	s16 =	simm.s32 $0x5  }
0x14d: {  	[tilespmem:s21], [sflag:$0x4] =	stream.indirect_vreg.gather [hbm4b:s7+s3], $0x80, v4, vm0, $0xb8;
	[tilespmem:$0x1C100] =	vst v63  }
0x14e: {  	_ =	swait.ge [sflag:s16], $0x4000  }
0x14f: {  	s17 =	simm.s32 $0xC;
	[sflag:s16] =	ssyncset.done $0x0  }
0x150: {  	s21 =	simm.s32 $0x10100;
	s20 =	rddreg [dreg:$0x8];
	[sflag:s16] =	ssyncadd.s32 $0xFFFFC000  }
0x151: {  	[hbm4b:s20+s3] =	stream.linear.scatter [tilespmem:s21], [sflag:$0xC], $0x4000, $0x38;
	[tilespmem:$0x1C100] =	vst v63  }
0x152: {  	_ =	swait.ge [sflag:s17], $0x4000  }
0x153: {  	[sflag:s17] =	ssyncset.done $0x0  }
0x154: {  	[sflag:s17] =	ssyncadd.s32 $0xFFFFC000  }
0x155: {  	v4 =	vld [tilespmem:$0xB0];
	_ =	sdelay $0x4  }
0x156: {  	vm1 =	vgt.s32 v4, $0x0  }
0x157: {  	v4 =	vnsel vm1, $0x0, v4  }
0x158: {  	v5 =	vadd.s32 v0, v4  }
0x159: {  	v5 =	vshll.u32 v5, $0x3  }
0x15a: {  	v4 =	vand.u32 $0x7, v4;
	v5 =	vand.u32 $0xFFFFFFC0, v5  }
0x15b: {  	v4 =	vor.u32 v4, v5  }
0x15c: {  	v5 =	vperm.xlane v4, v1;
	_ =	sdelay $0x1  }
0x15d: {  	v5 =	vadd.s32 v2, v5;
	_ =	sdelay $0x4  }
0x15e: {  	[tilespmem:s21], [sflag:$0x5] =	stream.indirect_vreg.gather [hbm4b:s2+s3], $0x80, v5, vm0, $0xb8;
	[tilespmem:$0x1C100] =	vst v63  }
0x15f: {  	s22 =	simm.s32 $0x10900;
	v4 =	vperm.xlane v4, v3  }
0x160: {  	[tilespmem:s22], [sflag:$0x5] =	stream.indirect_vreg.gather [hbm4b:s5+s3], $0x80, v5, vm0, $0xb8;
	[tilespmem:$0x1C100] =	vst v63  }
0x161: {  	s23 =	simm.s32 $0x11100;
	v4 =	vadd.s32 v2, v4  }
0x162: {  	[tilespmem:s23], [sflag:$0x5] =	stream.indirect_vreg.gather [hbm4b:s6+s3], $0x80, v5, vm0, $0xb8;
	[tilespmem:$0x1C100] =	vst v63  }
0x163: {  	s20 =	simm.s32 $0x11900  }
0x164: {  	[tilespmem:s20], [sflag:$0x5] =	stream.indirect_vreg.gather [hbm4b:s7+s3], $0x80, v5, vm0, $0xb8;
	[tilespmem:$0x1C100] =	vst v63  }
0x165: {  	s21 =	simm.s32 $0x12100  }
0x166: {  	[tilespmem:s21], [sflag:$0x5] =	stream.indirect_vreg.gather [hbm4b:s2+s3], $0x80, v4, vm0, $0xb8;
	[tilespmem:$0x1C100] =	vst v63  }
0x167: {  	s22 =	simm.s32 $0x12900  }
0x168: {  	[tilespmem:s22], [sflag:$0x5] =	stream.indirect_vreg.gather [hbm4b:s5+s3], $0x80, v4, vm0, $0xb8;
	[tilespmem:$0x1C100] =	vst v63  }
0x169: {  	s23 =	simm.s32 $0x13100  }
0x16a: {  	[tilespmem:s23], [sflag:$0x5] =	stream.indirect_vreg.gather [hbm4b:s6+s3], $0x80, v4, vm0, $0xb8;
	[tilespmem:$0x1C100] =	vst v63  }
0x16b: {  	s19 =	simm.s32 $0x6;
	s20 =	simm.s32 $0x13900  }
0x16c: {  	[tilespmem:s20], [sflag:$0x5] =	stream.indirect_vreg.gather [hbm4b:s7+s3], $0x80, v4, vm0, $0xb8;
	[tilespmem:$0x1C100] =	vst v63  }
0x16d: {  	_ =	swait.ge [sflag:s19], $0x4000  }
0x16e: {  	[sflag:s19] =	ssyncset.done $0x0  }
0x16f: {  	s20 =	simm.s32 $0xD;
	s21 =	rddreg [dreg:$0x9];
	[sflag:s19] =	ssyncadd.s32 $0xFFFFC000  }
0x170: {  	[hbm4b:s21+s3] =	stream.linear.scatter [tilespmem:s24], [sflag:$0xD], $0x4000, $0x38;
	[tilespmem:$0x1C100] =	vst v63  }
0x171: {  	_ =	swait.ge [sflag:s20], $0x4000  }
0x172: {  	[sflag:s20] =	ssyncset.done $0x0  }
0x173: {  	[sflag:s20] =	ssyncadd.s32 $0xFFFFC000  }
0x174: {  	v4 =	vld [tilespmem:$0xC0];
	_ =	sdelay $0x4  }
0x175: {  	vm1 =	vgt.s32 v4, $0x0  }
0x176: {  	v4 =	vnsel vm1, $0x0, v4  }
0x177: {  	v5 =	vadd.s32 v0, v4  }
0x178: {  	v5 =	vshll.u32 v5, $0x3  }
0x179: {  	v4 =	vand.u32 $0x7, v4;
	v5 =	vand.u32 $0xFFFFFFC0, v5  }
0x17a: {  	v4 =	vor.u32 v4, v5  }
0x17b: {  	v5 =	vperm.xlane v4, v1;
	_ =	sdelay $0x1  }
0x17c: {  	v5 =	vadd.s32 v2, v5;
	_ =	sdelay $0x4  }
0x17d: {  	[tilespmem:s24], [sflag:$0x6] =	stream.indirect_vreg.gather [hbm4b:s2+s3], $0x80, v5, vm0, $0xb8;
	[tilespmem:$0x1C100] =	vst v63  }
0x17e: {  	s22 =	simm.s32 $0x14900;
	v4 =	vperm.xlane v4, v3  }
0x17f: {  	[tilespmem:s22], [sflag:$0x6] =	stream.indirect_vreg.gather [hbm4b:s5+s3], $0x80, v5, vm0, $0xb8;
	[tilespmem:$0x1C100] =	vst v63  }
0x180: {  	s23 =	simm.s32 $0x15100;
	v4 =	vadd.s32 v2, v4  }
0x181: {  	[tilespmem:s23], [sflag:$0x6] =	stream.indirect_vreg.gather [hbm4b:s6+s3], $0x80, v5, vm0, $0xb8;
	[tilespmem:$0x1C100] =	vst v63  }
0x182: {  	s22 =	simm.s32 $0x15900  }
0x183: {  	[tilespmem:s22], [sflag:$0x6] =	stream.indirect_vreg.gather [hbm4b:s7+s3], $0x80, v5, vm0, $0xb8;
	[tilespmem:$0x1C100] =	vst v63  }
0x184: {  	s23 =	simm.s32 $0x16100  }
0x185: {  	[tilespmem:s23], [sflag:$0x6] =	stream.indirect_vreg.gather [hbm4b:s2+s3], $0x80, v4, vm0, $0xb8;
	[tilespmem:$0x1C100] =	vst v63  }
0x186: {  	s22 =	simm.s32 $0x16900  }
0x187: {  	[tilespmem:s22], [sflag:$0x6] =	stream.indirect_vreg.gather [hbm4b:s5+s3], $0x80, v4, vm0, $0xb8;
	[tilespmem:$0x1C100] =	vst v63  }
0x188: {  	s23 =	simm.s32 $0x17100  }
0x189: {  	[tilespmem:s23], [sflag:$0x6] =	stream.indirect_vreg.gather [hbm4b:s6+s3], $0x80, v4, vm0, $0xb8;
	[tilespmem:$0x1C100] =	vst v63  }
0x18a: {  	s21 =	simm.s32 $0x7;
	s22 =	simm.s32 $0x17900  }
0x18b: {  	[tilespmem:s22], [sflag:$0x6] =	stream.indirect_vreg.gather [hbm4b:s7+s3], $0x80, v4, vm0, $0xb8;
	[tilespmem:$0x1C100] =	vst v63  }
0x18c: {  	_ =	swait.ge [sflag:s21], $0x4000  }
0x18d: {  	[sflag:s21] =	ssyncset.done $0x0  }
0x18e: {  	s23 =	rddreg [dreg:$0xa];
	[sflag:s21] =	ssyncadd.s32 $0xFFFFC000  }
0x18f: {  	[hbm4b:s23+s3] =	stream.linear.scatter [tilespmem:s10], [sflag:$0xE], $0x4000, $0x38;
	[tilespmem:$0x1C100] =	vst v63  }
0x190: {  	s23 =	simm.s32 $0xE  }
0x191: {  	_ =	swait.ge [sflag:s23], $0x4000  }
0x192: {  	[sflag:s23] =	ssyncset.done $0x0  }
0x193: {  	[sflag:s23] =	ssyncadd.s32 $0xFFFFC000  }
0x194: {  	v4 =	vld [tilespmem:$0xD0];
	_ =	sdelay $0x4  }
0x195: {  	vm1 =	vgt.s32 v4, $0x0  }
0x196: {  	v4 =	vnsel vm1, $0x0, v4  }
0x197: {  	v5 =	vadd.s32 v0, v4  }
0x198: {  	v5 =	vshll.u32 v5, $0x3  }
0x199: {  	v4 =	vand.u32 $0x7, v4;
	v5 =	vand.u32 $0xFFFFFFC0, v5  }
0x19a: {  	v4 =	vor.u32 v4, v5  }
0x19b: {  	v5 =	vperm.xlane v4, v1;
	_ =	sdelay $0x1  }
0x19c: {  	v5 =	vadd.s32 v2, v5;
	_ =	sdelay $0x4  }
0x19d: {  	[tilespmem:s10], [sflag:$0x7] =	stream.indirect_vreg.gather [hbm4b:s2+s3], $0x80, v5, vm0, $0xb8;
	[tilespmem:$0x1C100] =	vst v63  }
0x19e: {  	s22 =	simm.s32 $0x18900;
	v4 =	vperm.xlane v4, v3  }
0x19f: {  	[tilespmem:s22], [sflag:$0x7] =	stream.indirect_vreg.gather [hbm4b:s5+s3], $0x80, v5, vm0, $0xb8;
	[tilespmem:$0x1C100] =	vst v63  }
0x1a0: {  	v4 =	vadd.s32 v2, v4;
	s22 =	simm.s32 $0x19100  }
0x1a1: {  	[tilespmem:s22], [sflag:$0x7] =	stream.indirect_vreg.gather [hbm4b:s6+s3], $0x80, v5, vm0, $0xb8;
	[tilespmem:$0x1C100] =	vst v63  }
0x1a2: {  	s22 =	simm.s32 $0x19900  }
0x1a3: {  	[tilespmem:s22], [sflag:$0x7] =	stream.indirect_vreg.gather [hbm4b:s7+s3], $0x80, v5, vm0, $0xb8;
	[tilespmem:$0x1C100] =	vst v63  }
0x1a4: {  	s22 =	simm.s32 $0x1A100  }
0x1a5: {  	[tilespmem:s22], [sflag:$0x7] =	stream.indirect_vreg.gather [hbm4b:s2+s3], $0x80, v4, vm0, $0xb8;
	[tilespmem:$0x1C100] =	vst v63  }
0x1a6: {  	s22 =	simm.s32 $0x1A900  }
0x1a7: {  	[tilespmem:s22], [sflag:$0x7] =	stream.indirect_vreg.gather [hbm4b:s5+s3], $0x80, v4, vm0, $0xb8;
	[tilespmem:$0x1C100] =	vst v63  }
0x1a8: {  	s22 =	simm.s32 $0x1B100  }
0x1a9: {  	[tilespmem:s22], [sflag:$0x7] =	stream.indirect_vreg.gather [hbm4b:s6+s3], $0x80, v4, vm0, $0xb8;
	[tilespmem:$0x1C100] =	vst v63  }
0x1aa: {  	s22 =	simm.s32 $0x1B900  }
0x1ab: {  	[tilespmem:s22], [sflag:$0x7] =	stream.indirect_vreg.gather [hbm4b:s7+s3], $0x80, v4, vm0, $0xb8;
	[tilespmem:$0x1C100] =	vst v63  }
0x1ac: {  	_ =	swait.ge [sflag:s14], $0x4000  }
0x1ad: {  	[sflag:s14] =	ssyncset.done $0x0  }
0x1ae: {  	s22 =	rddreg [dreg:$0xb];
	[sflag:s14] =	ssyncadd.s32 $0xFFFFC000  }
0x1af: {  	[hbm4b:s22+s3] =	stream.linear.scatter [tilespmem:s12], [sflag:$0x8], $0x4000, $0x38;
	[tilespmem:$0x1C100] =	vst v63  }
0x1b0: {  	_ =	swait.ge [sflag:s30], $0x4000  }
0x1b1: {  	[sflag:s30] =	ssyncset.done $0x0  }
0x1b2: {  	[sflag:s30] =	ssyncadd.s32 $0xFFFFC000  }
0x1b3: {  	v4 =	vld [tilespmem:$0xE0];
	_ =	sdelay $0x4  }
0x1b4: {  	vm1 =	vgt.s32 v4, $0x0  }
0x1b5: {  	v4 =	vnsel vm1, $0x0, v4  }
0x1b6: {  	v5 =	vadd.s32 v0, v4  }
0x1b7: {  	v5 =	vshll.u32 v5, $0x3  }
0x1b8: {  	v4 =	vand.u32 $0x7, v4;
	v5 =	vand.u32 $0xFFFFFFC0, v5  }
0x1b9: {  	v4 =	vor.u32 v4, v5  }
0x1ba: {  	v5 =	vperm.xlane v4, v1;
	_ =	sdelay $0x1  }
0x1bb: {  	v5 =	vadd.s32 v2, v5;
	_ =	sdelay $0x4  }
0x1bc: {  	[tilespmem:s12], [sflag:$0x1] =	stream.indirect_vreg.gather [hbm4b:s2+s3], $0x80, v5, vm0, $0xb8;
	[tilespmem:$0x1C100] =	vst v63  }
0x1bd: {  	s22 =	simm.s32 $0x900;
	v4 =	vperm.xlane v4, v3  }
0x1be: {  	[tilespmem:s22], [sflag:$0x1] =	stream.indirect_vreg.gather [hbm4b:s5+s3], $0x80, v5, vm0, $0xb8;
	[tilespmem:$0x1C100] =	vst v63  }
0x1bf: {  	v4 =	vadd.s32 v2, v4;
	s22 =	simm.s32 $0x1100  }
0x1c0: {  	[tilespmem:s22], [sflag:$0x1] =	stream.indirect_vreg.gather [hbm4b:s6+s3], $0x80, v5, vm0, $0xb8;
	[tilespmem:$0x1C100] =	vst v63  }
0x1c1: {  	s22 =	simm.s32 $0x1900  }
0x1c2: {  	[tilespmem:s22], [sflag:$0x1] =	stream.indirect_vreg.gather [hbm4b:s7+s3], $0x80, v5, vm0, $0xb8;
	[tilespmem:$0x1C100] =	vst v63  }
0x1c3: {  	s22 =	simm.s32 $0x2100  }
0x1c4: {  	[tilespmem:s22], [sflag:$0x1] =	stream.indirect_vreg.gather [hbm4b:s2+s3], $0x80, v4, vm0, $0xb8;
	[tilespmem:$0x1C100] =	vst v63  }
0x1c5: {  	s22 =	simm.s32 $0x2900  }
0x1c6: {  	[tilespmem:s22], [sflag:$0x1] =	stream.indirect_vreg.gather [hbm4b:s5+s3], $0x80, v4, vm0, $0xb8;
	[tilespmem:$0x1C100] =	vst v63  }
0x1c7: {  	s22 =	simm.s32 $0x3100  }
0x1c8: {  	[tilespmem:s22], [sflag:$0x1] =	stream.indirect_vreg.gather [hbm4b:s6+s3], $0x80, v4, vm0, $0xb8;
	[tilespmem:$0x1C100] =	vst v63  }
0x1c9: {  	s22 =	simm.s32 $0x3900  }
0x1ca: {  	[tilespmem:s22], [sflag:$0x1] =	stream.indirect_vreg.gather [hbm4b:s7+s3], $0x80, v4, vm0, $0xb8;
	[tilespmem:$0x1C100] =	vst v63  }
0x1cb: {  	_ =	swait.ge [sflag:s4], $0x4000  }
0x1cc: {  	[sflag:s4] =	ssyncset.done $0x0  }
0x1cd: {  	s22 =	rddreg [dreg:$0xc];
	[sflag:s4] =	ssyncadd.s32 $0xFFFFC000  }
0x1ce: {  	[hbm4b:s22+s3] =	stream.linear.scatter [tilespmem:s11], [sflag:$0x9], $0x4000, $0x38;
	[tilespmem:$0x1C100] =	vst v63  }
0x1cf: {  	_ =	swait.ge [sflag:s9], $0x4000  }
0x1d0: {  	[sflag:s9] =	ssyncset.done $0x0  }
0x1d1: {  	[sflag:s9] =	ssyncadd.s32 $0xFFFFC000  }
0x1d2: {  	v4 =	vld [tilespmem:$0xF0];
	_ =	sdelay $0x4  }
0x1d3: {  	vm1 =	vgt.s32 v4, $0x0  }
0x1d4: {  	v4 =	vnsel vm1, $0x0, v4  }
0x1d5: {  	v5 =	vadd.s32 v0, v4  }
0x1d6: {  	v5 =	vshll.u32 v5, $0x3  }
0x1d7: {  	v4 =	vand.u32 $0x7, v4;
	v5 =	vand.u32 $0xFFFFFFC0, v5  }
0x1d8: {  	v4 =	vor.u32 v4, v5  }
0x1d9: {  	v5 =	vperm.xlane v4, v1;
	_ =	sdelay $0x1  }
0x1da: {  	v5 =	vadd.s32 v2, v5;
	_ =	sdelay $0x4  }
0x1db: {  	[tilespmem:s11], [sflag:$0x2] =	stream.indirect_vreg.gather [hbm4b:s2+s3], $0x80, v5, vm0, $0xb8;
	[tilespmem:$0x1C100] =	vst v63  }
0x1dc: {  	s22 =	simm.s32 $0x4900;
	v4 =	vperm.xlane v4, v3  }
0x1dd: {  	[tilespmem:s22], [sflag:$0x2] =	stream.indirect_vreg.gather [hbm4b:s5+s3], $0x80, v5, vm0, $0xb8;
	[tilespmem:$0x1C100] =	vst v63  }
0x1de: {  	v4 =	vadd.s32 v2, v4;
	s22 =	simm.s32 $0x5100  }
0x1df: {  	[tilespmem:s22], [sflag:$0x2] =	stream.indirect_vreg.gather [hbm4b:s6+s3], $0x80, v5, vm0, $0xb8;
	[tilespmem:$0x1C100] =	vst v63  }
0x1e0: {  	s22 =	simm.s32 $0x5900  }
0x1e1: {  	[tilespmem:s22], [sflag:$0x2] =	stream.indirect_vreg.gather [hbm4b:s7+s3], $0x80, v5, vm0, $0xb8;
	[tilespmem:$0x1C100] =	vst v63  }
0x1e2: {  	s22 =	simm.s32 $0x6100  }
0x1e3: {  	[tilespmem:s22], [sflag:$0x2] =	stream.indirect_vreg.gather [hbm4b:s2+s3], $0x80, v4, vm0, $0xb8;
	[tilespmem:$0x1C100] =	vst v63  }
0x1e4: {  	s22 =	simm.s32 $0x6900  }
0x1e5: {  	[tilespmem:s22], [sflag:$0x2] =	stream.indirect_vreg.gather [hbm4b:s5+s3], $0x80, v4, vm0, $0xb8;
	[tilespmem:$0x1C100] =	vst v63  }
0x1e6: {  	s22 =	simm.s32 $0x7100  }
0x1e7: {  	[tilespmem:s22], [sflag:$0x2] =	stream.indirect_vreg.gather [hbm4b:s6+s3], $0x80, v4, vm0, $0xb8;
	[tilespmem:$0x1C100] =	vst v63  }
0x1e8: {  	s22 =	simm.s32 $0x7900  }
0x1e9: {  	[tilespmem:s22], [sflag:$0x2] =	stream.indirect_vreg.gather [hbm4b:s7+s3], $0x80, v4, vm0, $0xb8;
	[tilespmem:$0x1C100] =	vst v63  }
0x1ea: {  	_ =	swait.ge [sflag:s0], $0x4000  }
0x1eb: {  	[sflag:s0] =	ssyncset.done $0x0  }
0x1ec: {  	s22 =	rddreg [dreg:$0xd];
	[sflag:s0] =	ssyncadd.s32 $0xFFFFC000;
	s0 =	simm.s32 $0x8100  }
0x1ed: {  	[hbm4b:s22+s3] =	stream.linear.scatter [tilespmem:s0], [sflag:$0xA], $0x4000, $0x38;
	[tilespmem:$0x1C100] =	vst v63  }
0x1ee: {  	_ =	swait.ge [sflag:s13], $0x4000  }
0x1ef: {  	[sflag:s13] =	ssyncset.done $0x0  }
0x1f0: {  	s15 =	simm.s32 $0xC100;
	s0 =	rddreg [dreg:$0xe];
	[sflag:s13] =	ssyncadd.s32 $0xFFFFC000  }
0x1f1: {  	[hbm4b:s0+s3] =	stream.linear.scatter [tilespmem:s15], [sflag:$0xB], $0x4000, $0x38;
	[tilespmem:$0x1C100] =	vst v63  }
0x1f2: {  	_ =	swait.ge [sflag:s16], $0x4000  }
0x1f3: {  	[sflag:s16] =	ssyncset.done $0x0  }
0x1f4: {  	s25 =	simm.s32 $0x10100;
	s15 =	rddreg [dreg:$0xf];
	[sflag:s16] =	ssyncadd.s32 $0xFFFFC000  }
0x1f5: {  	[hbm4b:s15+s3] =	stream.linear.scatter [tilespmem:s25], [sflag:$0xC], $0x4000, $0x38;
	[tilespmem:$0x1C100] =	vst v63  }
0x1f6: {  	_ =	swait.ge [sflag:s19], $0x4000  }
0x1f7: {  	[sflag:s19] =	ssyncset.done $0x0  }
0x1f8: {  	s16 =	rddreg [dreg:$0x10];
	[sflag:s19] =	ssyncadd.s32 $0xFFFFC000  }
0x1f9: {  	[hbm4b:s16+s3] =	stream.linear.scatter [tilespmem:s24], [sflag:$0xD], $0x4000, $0x38;
	[tilespmem:$0x1C100] =	vst v63  }
0x1fa: {  	_ =	swait.ge [sflag:s21], $0x4000  }
0x1fb: {  	[sflag:s21] =	ssyncset.done $0x0  }
0x1fc: {  	s19 =	rddreg [dreg:$0x11];
	[sflag:s21] =	ssyncadd.s32 $0xFFFFC000  }
0x1fd: {  	[hbm4b:s19+s3] =	stream.linear.scatter [tilespmem:s10], [sflag:$0xE], $0x4000, $0x38;
	[tilespmem:$0x1C100] =	vst v63  }
0x1fe: {  	_ =	swait.ge [sflag:s14], $0x4000  }
0x1ff: {  	[sflag:s14] =	ssyncset.done $0x0  }
0x200: {  	s24 =	rddreg [dreg:$0x12];
	[sflag:s14] =	ssyncadd.s32 $0xFFFFC000  }
0x201: {  	[hbm4b:s24+s3] =	stream.linear.scatter [tilespmem:s12], [sflag:$0x8], $0x4000, $0x38;
	[tilespmem:$0x1C100] =	vst v63  }
0x202: {  	_ =	swait.ge [sflag:s4], $0x4000  }
0x203: {  	[sflag:s4] =	ssyncset.done $0x0  }
0x204: {  	s25 =	rddreg [dreg:$0x13];
	[sflag:s4] =	ssyncadd.s32 $0xFFFFC000  }
0x205: {  	[hbm4b:s25+s3] =	stream.linear.scatter [tilespmem:s11], [sflag:$0x9], $0x4000, $0x38;
	[tilespmem:$0x1C100] =	vst v63  }
0x206: {  	_ =	swait.ge [sflag:s1], $0x4000  }
0x207: {  	[sflag:s1] =	ssyncset.done $0x0  }
0x208: {  	[sflag:s1] =	ssyncadd.s32 $0xFFFFC000  }
0x209: {  	_ =	swait.ge [sflag:s18], $0x4000  }
0x20a: {  	[sflag:s18] =	ssyncset.done $0x0  }
0x20b: {  	[sflag:s18] =	ssyncadd.s32 $0xFFFFC000  }
0x20c: {  	_ =	swait.ge [sflag:s17], $0x4000  }
0x20d: {  	[sflag:s17] =	ssyncset.done $0x0  }
0x20e: {  	[sflag:s17] =	ssyncadd.s32 $0xFFFFC000  }
0x20f: {  	_ =	swait.ge [sflag:s20], $0x4000  }
0x210: {  	[sflag:s20] =	ssyncset.done $0x0  }
0x211: {  	[sflag:s20] =	ssyncadd.s32 $0xFFFFC000  }
0x212: {  	_ =	swait.ge [sflag:s23], $0x4000  }
0x213: {  	[sflag:s23] =	ssyncset.done $0x0  }
0x214: {  	[sflag:s23] =	ssyncadd.s32 $0xFFFFC000  }
0x215: {  	p0 =	sne.s32 s8, $0x1;
	_ =	swait.ge [sflag:s30], $0x4000  }
.Ltmp0:
0x216: {  	[sflag:s30] =	ssyncset.done $0x0;
	(pc) =	sbr.rel @p0 .LBB2_1-.Ltmp0, $4  }
0x217: {  	[sflag:s30] =	ssyncadd.s32 $0xFFFFC000  }
0x218: {  	_ =	swait.ge [sflag:s9], $0x4000  }
0x219: {  	[sflag:s9] =	ssyncset.done $0x0  }
0x21a: {  	s8 =	sadd.s32 $0xFFFFFFFF, s8;
	[sflag:s9] =	ssyncadd.s32 $0xFFFFC000  }
0x21b: {  	_ =	sfence.sel $0x180000  }
0x21c: {  	[bflag:$0x0] =	sbarrier.arrive $0xFFFF  }
0x21d: {  	_ =	strace $0x90000047  }
0x21e: {  	s0 =	stileid.u32;
	[bflag:$0x2] =	sbarrier.arrive $0xFFFF  }
0x21f: {  	p0 =	sne.s32 s0, $0x0;
	s0 =	rddreg [dreg:$0x3]  }
0x220: {  	s0 =	sadd.s32 @!p0 $0x100000, s0  }
0x221: {  	[sflag:s0] =	ssyncadd.tile.s32 @!p0 $0x1;
	_ =	shalt  }
.Lfunc_end2:
_tile_overlayer_lowered:
.L_overlay_start_2:
0x222: {  	(tag) =	ssettag $0x2  }
0x223: {  	s0 =	rddreg [dreg:$0x0];
	s2 =	stileid.u32  }
0x224: {  	s1 =	rddreg [dreg:$0x1];
	p0 =	sne.s32 s2, $0x0  }
0x225: {  	s3 =	rddreg [dreg:$0x2];
	[bflag:$0x3] =	sbarrier.arrive $0xFFFF;
	s2 =	simm.s32 @!p0 $0x1C0F  }
0x226: {  	[timem:s3], [sflag:s2] =	dma.local @!p0 [hbm:s0], s1  }
0x227: {  	s0 =	simm.s32 @!p0 $0xF  }
0x228: {  	_ =	swait.ge @!p0 [sflag:s0], s1  }
0x229: {  	s1 =	ssub.s32 @!p0 $0x0, s1;
	[sflag:s0] =	ssyncset.done @!p0 $0x0  }
0x22a: {  	[sflag:s0] =	ssyncadd.s32 @!p0 s1  }
0x22b: {  	[bflag:$0x3] =	sbarrier.arrive $0xFFFF  }
0x22c: {  	_ =	shalt  }

</sc_bundles>
